<compile_context>
chip_gen: v7x
topology: tpu7x:2x2x1
jax: 0.10.2.dev20260603
libtpu: 0.0.44.dev20260713+nightly
codegen_flags: <defaults>
</compile_context>

<pallas_src>
import functools

import jax
import jax.numpy as jnp
from jax import lax
from jax.experimental import pallas as pl
from jax.experimental.pallas import tpu as pltpu
from jax.experimental.pallas import tpu_sc as plsc

_MAX_LEN = 10000
_B, _L, _D = 4096, 200, 64
_N_TOK = _B * _L

_NC, _NS, _LANES = 2, 16, 16
_NW = _NC * _NS
_COLS = _B // _NW


_L_HALF = 96


def _gather_body(pe_hbm, idx_hbm, g_hbm, pe_v, idx_v, g_v, sem_pe, sem_in, sem_out):
    wid = lax.axis_index("s") * _NC + lax.axis_index("c")
    base = wid * _COLS
    cp_pe = pltpu.make_async_copy(pe_hbm, pe_v, sem_pe)
    cp_pe.start()
    cp_in = pltpu.make_async_copy(idx_hbm.at[:, pl.ds(base, _COLS)], idx_v, sem_in)
    cp_in.start()
    cp_pe.wait()
    cp_in.wait()

    def _gather_rows(lo, hi):
        @plsc.parallel_loop(lo, hi, 1, unroll=2)
        def _row(r):
            for c in range(_COLS // _LANES):
                off = c * _LANES
                iv = idx_v[r, pl.ds(off, _LANES)]
                g_v[r, pl.ds(off, _LANES)] = plsc.load_gather(pe_v, [iv])

    _gather_rows(0, _L_HALF)
    cp_out0 = pltpu.make_async_copy(
        g_v.at[pl.ds(0, _L_HALF), :], g_hbm.at[pl.ds(0, _L_HALF), pl.ds(base, _COLS)],
        sem_out,
    )
    cp_out0.start()
    _gather_rows(_L_HALF, _L)
    cp_out0.wait()
    pltpu.sync_copy(
        g_v.at[pl.ds(_L_HALF, _L - _L_HALF), :],
        g_hbm.at[pl.ds(_L_HALF, _L - _L_HALF), pl.ds(base, _COLS)],
    )


_gather_sc = functools.partial(
    pl.kernel,
    out_type=jax.ShapeDtypeStruct((_L, _B), jnp.float32),
    mesh=plsc.VectorSubcoreMesh(core_axis_name="c", subcore_axis_name="s"),
    scratch_types=[
        pltpu.VMEM((_MAX_LEN,), jnp.float32),
        pltpu.VMEM((_L, _COLS), jnp.int32),
        pltpu.VMEM((_L, _COLS), jnp.float32),
        pltpu.SemaphoreType.DMA,
        pltpu.SemaphoreType.DMA,
        pltpu.SemaphoreType.DMA,
    ],
    compiler_params=pltpu.CompilerParams(
        needs_layout_passes=False, use_tc_tiling_on_sc=True
    ),
)(_gather_body)


_LB = 8


def _add_body(x_ref, g_ref, o_ref):
    i = pl.program_id(0)
    off = pl.multiple_of(i * _LB, 8)
    g_blk = g_ref[pl.ds(off, _LB), :]
    o_ref[...] = x_ref[...] + g_blk[:, None, :]


def _add_tc(xt, g2):
    return pl.pallas_call(
        _add_body,
        out_shape=jax.ShapeDtypeStruct((_L, _D, _B), jnp.float32),
        grid=(_L // _LB,),
        in_specs=[
            pl.BlockSpec((_LB, _D, _B), lambda i: (i, 0, 0)),
            pl.BlockSpec((_L, _B), lambda i: (0, 0)),
        ],
        out_specs=pl.BlockSpec((_LB, _D, _B), lambda i: (i, 0, 0)),
        compiler_params=pltpu.CompilerParams(vmem_limit_bytes=50 * 1024 * 1024),
    )(xt, g2)


def kernel(x, idx, pe):
    pe1 = pe.reshape(_MAX_LEN)
    xt = jnp.transpose(x, (1, 2, 0))
    idx_t = jnp.transpose(idx)
    g2 = _gather_sc(pe1, idx_t)
    out_t = _add_tc(xt, g2)
    return jnp.transpose(out_t, (2, 0, 1))

# --- scband reference (transcript-rebuilt; emitter-appended) ---
"""Pipeline reference for scband-pos-encoding-8229157339697 (READ-ONLY COPY).

The authoritative reference and input builder live on the scoring server;
editing this copy changes nothing except your own understanding.
"""

import jax, jax.numpy as jnp
import numpy as np

MAX_LEN = 10000

def _build_pe(max_len=MAX_LEN):
    position = jnp.arange(0, max_len, 2, dtype=jnp.float32)
    pe = jnp.zeros((max_len,), dtype=jnp.float32)
    pe = pe.at[0::2].set(jnp.sin(position))
    pe = pe.at[1::2].set(jnp.cos(position))
    return pe[:, None]  # [max_len, 1]

def setup_inputs(seed: int = 0) -> dict:
    key = jax.random.key(seed)
    k1, k2 = jax.random.split(key)
    x = jax.random.normal(k1, (4096, 200, 64), dtype=jnp.float32)
    idx = jax.random.randint(k2, (4096, 200), 0, MAX_LEN, dtype=jnp.int32)
    pe = _build_pe(MAX_LEN)
    return {"x": x, "idx": idx, "pe": pe}

def reference(x, idx, pe):
    # gather rows of pe by idx -> [B, L, 1], broadcast-add onto x [B, L, D]
    gathered = jnp.take(pe, idx, axis=0)  # [4096, 200, 1]
    out = x + gathered
    # dropout with p=0.0 is identity
    return out

if __name__ == "__main__":
    import jax
    _d = setup_inputs()
    print(jax.jit(kernel)(*tuple(_d.values())))

</pallas_src>

<mosaic_0001>
#map = affine_map<(d0, d1) -> (0)>
#map1 = affine_map<(d0, d1) -> (0, 0)>
module attributes {stable_mosaic.version = 14 : i64} {
  func.func @_gather_body(%arg0: i32, %arg1: i32, %arg2: memref<10000xf32, #tpu.memory_space<hbm>>, %arg3: memref<200x4096xi32, #tpu.memory_space<hbm>>, %arg4: memref<200x4096xf32, #tpu.memory_space<hbm>>, %arg5: memref<10000xf32, #tpu.memory_space<vmem>>, %arg6: memref<200x128xi32, #tpu.memory_space<vmem>>, %arg7: memref<200x128xf32, #tpu.memory_space<vmem>>, %arg8: memref<!tpu.dma_semaphore, #tpu.memory_space<semaphore_mem>>, %arg9: memref<!tpu.dma_semaphore, #tpu.memory_space<semaphore_mem>>, %arg10: memref<!tpu.dma_semaphore, #tpu.memory_space<semaphore_mem>>) attributes {dimension_semantics = [#tpu.dimension_semantics<core_parallel>, #tpu.dimension_semantics<subcore_parallel>], iteration_bounds = array<i64: 2, 16>, scalar_prefetch = 0 : i64, scratch_operands = 6 : i64, tpu.core_type = #tpu.core_type<sc_vector_subcore>, window_params = [{transform_indices = #map}, {transform_indices = #map1}, {transform_indices = #map1}]} {
    %mul3A = arith.constant 2 : i32
    %mul3A_0 = arith.muli %arg1, %mul3A : i32
    %add3A = arith.addi %mul3A_0, %arg0 : i32
    %mul3A_1 = arith.constant 128 : i32
    %mul3A_2 = arith.muli %add3A, %mul3A_1 : i32
    tpu.enqueue_dma source(%arg2 : memref<10000xf32, #tpu.memory_space<hbm>>) target(%arg5 : memref<10000xf32, #tpu.memory_space<vmem>>) target_semaphore(%arg8 : memref<!tpu.dma_semaphore, #tpu.memory_space<semaphore_mem>>)
    %dma_start3A = arith.constant 0 : i32
    %dma_start3A_3 = tpu.memref_slice %arg3[%dma_start3A, %mul3A_2] : memref<200x4096xi32, #tpu.memory_space<hbm>> -> memref<200x128xi32, #tpu.memory_space<hbm>>
    %dma_start3A_4 = arith.constant 0 : i32
    %dma_start3A_5 = tpu.memref_slice %arg3[%dma_start3A_4, %mul3A_2] : memref<200x4096xi32, #tpu.memory_space<hbm>> -> memref<200x128xi32, #tpu.memory_space<hbm>>
    tpu.enqueue_dma source(%dma_start3A_5 : memref<200x128xi32, #tpu.memory_space<hbm>>) target(%arg6 : memref<200x128xi32, #tpu.memory_space<vmem>>) target_semaphore(%arg9 : memref<!tpu.dma_semaphore, #tpu.memory_space<semaphore_mem>>)
    tpu.wait_dma2 semaphore(%arg8 : memref<!tpu.dma_semaphore, #tpu.memory_space<semaphore_mem>>) src(%arg2 : memref<10000xf32, #tpu.memory_space<hbm>>) dst(%arg5 : memref<10000xf32, #tpu.memory_space<vmem>>)
    %dma_wait3A = arith.constant 0 : i32
    %dma_wait3A_6 = tpu.memref_slice %arg3[%dma_wait3A, %mul3A_2] : memref<200x4096xi32, #tpu.memory_space<hbm>> -> memref<200x128xi32, #tpu.memory_space<hbm>>
    %dma_wait3A_7 = arith.constant 0 : i32
    %dma_wait3A_8 = tpu.memref_slice %arg3[%dma_wait3A_7, %mul3A_2] : memref<200x4096xi32, #tpu.memory_space<hbm>> -> memref<200x128xi32, #tpu.memory_space<hbm>>
    tpu.wait_dma2 semaphore(%arg9 : memref<!tpu.dma_semaphore, #tpu.memory_space<semaphore_mem>>) src(%dma_wait3A_8 : memref<200x128xi32, #tpu.memory_space<hbm>>) dst(%arg6 : memref<200x128xi32, #tpu.memory_space<vmem>>)
    %parallel_loop3A = arith.constant 0 : i32
    %parallel_loop3A_9 = arith.constant 96 : i32
    %parallel_loop3A_10 = arith.constant 1 : i32
    scf.for %parallel_loop3A_34 = %parallel_loop3A to %parallel_loop3A_9 step %parallel_loop3A_10  : i32 {
      %parallel_loop3A_35 = arith.index_cast %parallel_loop3A_34 : i32 to index
      %parallel_loop3A_36 = arith.constant 0 : index
      %parallel_loop3A_37 = tpu.vector_load %arg6[%parallel_loop3A_35, %parallel_loop3A_36] {strides = array<i32>} : memref<200x128xi32, #tpu.memory_space<vmem>>, vector<16xi32>,
      %parallel_loop3A_38 = tpu.vector_load_idx %arg5[%parallel_loop3A_37] : memref<10000xf32, #tpu.memory_space<vmem>>[vector<16xi32>], vector<16xf32>,
      %parallel_loop3A_39 = arith.index_cast %parallel_loop3A_34 : i32 to index
      %parallel_loop3A_40 = arith.constant 0 : index
      %parallel_loop3A_41 = tpu.vector_load %arg7[%parallel_loop3A_39, %parallel_loop3A_40] {strides = array<i32>} : memref<200x128xf32, #tpu.memory_space<vmem>>, vector<16xf32>,
      tpu.vector_store %arg7[%parallel_loop3A_39, %parallel_loop3A_40], %parallel_loop3A_38 {strides = array<i32>} : memref<200x128xf32, #tpu.memory_space<vmem>>, vector<16xf32>,
      %parallel_loop3A_42 = arith.index_cast %parallel_loop3A_34 : i32 to index
      %parallel_loop3A_43 = arith.constant 16 : index
      %parallel_loop3A_44 = tpu.vector_load %arg6[%parallel_loop3A_42, %parallel_loop3A_43] {strides = array<i32>} : memref<200x128xi32, #tpu.memory_space<vmem>>, vector<16xi32>,
      %parallel_loop3A_45 = tpu.vector_load_idx %arg5[%parallel_loop3A_44] : memref<10000xf32, #tpu.memory_space<vmem>>[vector<16xi32>], vector<16xf32>,
      %parallel_loop3A_46 = arith.index_cast %parallel_loop3A_34 : i32 to index
      %parallel_loop3A_47 = arith.constant 16 : index
      %parallel_loop3A_48 = tpu.vector_load %arg7[%parallel_loop3A_46, %parallel_loop3A_47] {strides = array<i32>} : memref<200x128xf32, #tpu.memory_space<vmem>>, vector<16xf32>,
      tpu.vector_store %arg7[%parallel_loop3A_46, %parallel_loop3A_47], %parallel_loop3A_45 {strides = array<i32>} : memref<200x128xf32, #tpu.memory_space<vmem>>, vector<16xf32>,
      %parallel_loop3A_49 = arith.index_cast %parallel_loop3A_34 : i32 to index
      %parallel_loop3A_50 = arith.constant 32 : index
      %parallel_loop3A_51 = tpu.vector_load %arg6[%parallel_loop3A_49, %parallel_loop3A_50] {strides = array<i32>} : memref<200x128xi32, #tpu.memory_space<vmem>>, vector<16xi32>,
      %parallel_loop3A_52 = tpu.vector_load_idx %arg5[%parallel_loop3A_51] : memref<10000xf32, #tpu.memory_space<vmem>>[vector<16xi32>], vector<16xf32>,
      %parallel_loop3A_53 = arith.index_cast %parallel_loop3A_34 : i32 to index
      %parallel_loop3A_54 = arith.constant 32 : index
      %parallel_loop3A_55 = tpu.vector_load %arg7[%parallel_loop3A_53, %parallel_loop3A_54] {strides = array<i32>} : memref<200x128xf32, #tpu.memory_space<vmem>>, vector<16xf32>,
      tpu.vector_store %arg7[%parallel_loop3A_53, %parallel_loop3A_54], %parallel_loop3A_52 {strides = array<i32>} : memref<200x128xf32, #tpu.memory_space<vmem>>, vector<16xf32>,
      %parallel_loop3A_56 = arith.index_cast %parallel_loop3A_34 : i32 to index
      %parallel_loop3A_57 = arith.constant 48 : index
      %parallel_loop3A_58 = tpu.vector_load %arg6[%parallel_loop3A_56, %parallel_loop3A_57] {strides = array<i32>} : memref<200x128xi32, #tpu.memory_space<vmem>>, vector<16xi32>,
      %parallel_loop3A_59 = tpu.vector_load_idx %arg5[%parallel_loop3A_58] : memref<10000xf32, #tpu.memory_space<vmem>>[vector<16xi32>], vector<16xf32>,
      %parallel_loop3A_60 = arith.index_cast %parallel_loop3A_34 : i32 to index
      %parallel_loop3A_61 = arith.constant 48 : index
      %parallel_loop3A_62 = tpu.vector_load %arg7[%parallel_loop3A_60, %parallel_loop3A_61] {strides = array<i32>} : memref<200x128xf32, #tpu.memory_space<vmem>>, vector<16xf32>,
      tpu.vector_store %arg7[%parallel_loop3A_60, %parallel_loop3A_61], %parallel_loop3A_59 {strides = array<i32>} : memref<200x128xf32, #tpu.memory_space<vmem>>, vector<16xf32>,
      %parallel_loop3A_63 = arith.index_cast %parallel_loop3A_34 : i32 to index
      %parallel_loop3A_64 = arith.constant 64 : index
      %parallel_loop3A_65 = tpu.vector_load %arg6[%parallel_loop3A_63, %parallel_loop3A_64] {strides = array<i32>} : memref<200x128xi32, #tpu.memory_space<vmem>>, vector<16xi32>,
      %parallel_loop3A_66 = tpu.vector_load_idx %arg5[%parallel_loop3A_65] : memref<10000xf32, #tpu.memory_space<vmem>>[vector<16xi32>], vector<16xf32>,
      %parallel_loop3A_67 = arith.index_cast %parallel_loop3A_34 : i32 to index
      %parallel_loop3A_68 = arith.constant 64 : index
      %parallel_loop3A_69 = tpu.vector_load %arg7[%parallel_loop3A_67, %parallel_loop3A_68] {strides = array<i32>} : memref<200x128xf32, #tpu.memory_space<vmem>>, vector<16xf32>,
      tpu.vector_store %arg7[%parallel_loop3A_67, %parallel_loop3A_68], %parallel_loop3A_66 {strides = array<i32>} : memref<200x128xf32, #tpu.memory_space<vmem>>, vector<16xf32>,
      %parallel_loop3A_70 = arith.index_cast %parallel_loop3A_34 : i32 to index
      %parallel_loop3A_71 = arith.constant 80 : index
      %parallel_loop3A_72 = tpu.vector_load %arg6[%parallel_loop3A_70, %parallel_loop3A_71] {strides = array<i32>} : memref<200x128xi32, #tpu.memory_space<vmem>>, vector<16xi32>,
      %parallel_loop3A_73 = tpu.vector_load_idx %arg5[%parallel_loop3A_72] : memref<10000xf32, #tpu.memory_space<vmem>>[vector<16xi32>], vector<16xf32>,
      %parallel_loop3A_74 = arith.index_cast %parallel_loop3A_34 : i32 to index
      %parallel_loop3A_75 = arith.constant 80 : index
      %parallel_loop3A_76 = tpu.vector_load %arg7[%parallel_loop3A_74, %parallel_loop3A_75] {strides = array<i32>} : memref<200x128xf32, #tpu.memory_space<vmem>>, vector<16xf32>,
      tpu.vector_store %arg7[%parallel_loop3A_74, %parallel_loop3A_75], %parallel_loop3A_73 {strides = array<i32>} : memref<200x128xf32, #tpu.memory_space<vmem>>, vector<16xf32>,
      %parallel_loop3A_77 = arith.index_cast %parallel_loop3A_34 : i32 to index
      %parallel_loop3A_78 = arith.constant 96 : index
      %parallel_loop3A_79 = tpu.vector_load %arg6[%parallel_loop3A_77, %parallel_loop3A_78] {strides = array<i32>} : memref<200x128xi32, #tpu.memory_space<vmem>>, vector<16xi32>,
      %parallel_loop3A_80 = tpu.vector_load_idx %arg5[%parallel_loop3A_79] : memref<10000xf32, #tpu.memory_space<vmem>>[vector<16xi32>], vector<16xf32>,
      %parallel_loop3A_81 = arith.index_cast %parallel_loop3A_34 : i32 to index
      %parallel_loop3A_82 = arith.constant 96 : index
      %parallel_loop3A_83 = tpu.vector_load %arg7[%parallel_loop3A_81, %parallel_loop3A_82] {strides = array<i32>} : memref<200x128xf32, #tpu.memory_space<vmem>>, vector<16xf32>,
      tpu.vector_store %arg7[%parallel_loop3A_81, %parallel_loop3A_82], %parallel_loop3A_80 {strides = array<i32>} : memref<200x128xf32, #tpu.memory_space<vmem>>, vector<16xf32>,
      %parallel_loop3A_84 = arith.index_cast %parallel_loop3A_34 : i32 to index
      %parallel_loop3A_85 = arith.constant 112 : index
      %parallel_loop3A_86 = tpu.vector_load %arg6[%parallel_loop3A_84, %parallel_loop3A_85] {strides = array<i32>} : memref<200x128xi32, #tpu.memory_space<vmem>>, vector<16xi32>,
      %parallel_loop3A_87 = tpu.vector_load_idx %arg5[%parallel_loop3A_86] : memref<10000xf32, #tpu.memory_space<vmem>>[vector<16xi32>], vector<16xf32>,
      %parallel_loop3A_88 = arith.index_cast %parallel_loop3A_34 : i32 to index
      %parallel_loop3A_89 = arith.constant 112 : index
      %parallel_loop3A_90 = tpu.vector_load %arg7[%parallel_loop3A_88, %parallel_loop3A_89] {strides = array<i32>} : memref<200x128xf32, #tpu.memory_space<vmem>>, vector<16xf32>,
      tpu.vector_store %arg7[%parallel_loop3A_88, %parallel_loop3A_89], %parallel_loop3A_87 {strides = array<i32>} : memref<200x128xf32, #tpu.memory_space<vmem>>, vector<16xf32>,
    } {sc.loop_unroll_factor = 2 : i64, sc.parallel_access}
    %dma_start3A_11 = arith.constant 0 : i32
    %dma_start3A_12 = arith.constant 0 : i32
    %dma_start3A_13 = tpu.memref_slice %arg7[%dma_start3A_11, %dma_start3A_12] : memref<200x128xf32, #tpu.memory_space<vmem>> -> memref<96x128xf32, #tpu.memory_space<vmem>>
    %dma_start3A_14 = arith.constant 0 : i32
    %dma_start3A_15 = tpu.memref_slice %arg4[%dma_start3A_14, %mul3A_2] : memref<200x4096xf32, #tpu.memory_space<hbm>> -> memref<96x128xf32, #tpu.memory_space<hbm>>
    %dma_start3A_16 = arith.constant 0 : i32
    %dma_start3A_17 = tpu.memref_slice %arg4[%dma_start3A_16, %mul3A_2] : memref<200x4096xf32, #tpu.memory_space<hbm>> -> memref<96x128xf32, #tpu.memory_space<hbm>>
    %dma_start3A_18 = arith.constant 0 : i32
    %dma_start3A_19 = arith.constant 0 : i32
    %dma_start3A_20 = tpu.memref_slice %arg7[%dma_start3A_18, %dma_start3A_19] : memref<200x128xf32, #tpu.memory_space<vmem>> -> memref<96x128xf32, #tpu.memory_space<vmem>>
    tpu.enqueue_dma source(%dma_start3A_20 : memref<96x128xf32, #tpu.memory_space<vmem>>) target(%dma_start3A_17 : memref<96x128xf32, #tpu.memory_space<hbm>>) target_semaphore(%arg10 : memref<!tpu.dma_semaphore, #tpu.memory_space<semaphore_mem>>)
    %parallel_loop3A_21 = arith.constant 96 : i32
    %parallel_loop3A_22 = arith.constant 200 : i32
    %parallel_loop3A_23 = arith.constant 1 : i32
    scf.for %parallel_loop3A_34 = %parallel_loop3A_21 to %parallel_loop3A_22 step %parallel_loop3A_23  : i32 {
      %parallel_loop3A_35 = arith.index_cast %parallel_loop3A_34 : i32 to index
      %parallel_loop3A_36 = arith.constant 0 : index
      %parallel_loop3A_37 = tpu.vector_load %arg6[%parallel_loop3A_35, %parallel_loop3A_36] {strides = array<i32>} : memref<200x128xi32, #tpu.memory_space<vmem>>, vector<16xi32>,
      %parallel_loop3A_38 = tpu.vector_load_idx %arg5[%parallel_loop3A_37] : memref<10000xf32, #tpu.memory_space<vmem>>[vector<16xi32>], vector<16xf32>,
      %parallel_loop3A_39 = arith.index_cast %parallel_loop3A_34 : i32 to index
      %parallel_loop3A_40 = arith.constant 0 : index
      %parallel_loop3A_41 = tpu.vector_load %arg7[%parallel_loop3A_39, %parallel_loop3A_40] {strides = array<i32>} : memref<200x128xf32, #tpu.memory_space<vmem>>, vector<16xf32>,
      tpu.vector_store %arg7[%parallel_loop3A_39, %parallel_loop3A_40], %parallel_loop3A_38 {strides = array<i32>} : memref<200x128xf32, #tpu.memory_space<vmem>>, vector<16xf32>,
      %parallel_loop3A_42 = arith.index_cast %parallel_loop3A_34 : i32 to index
      %parallel_loop3A_43 = arith.constant 16 : index
      %parallel_loop3A_44 = tpu.vector_load %arg6[%parallel_loop3A_42, %parallel_loop3A_43] {strides = array<i32>} : memref<200x128xi32, #tpu.memory_space<vmem>>, vector<16xi32>,
      %parallel_loop3A_45 = tpu.vector_load_idx %arg5[%parallel_loop3A_44] : memref<10000xf32, #tpu.memory_space<vmem>>[vector<16xi32>], vector<16xf32>,
      %parallel_loop3A_46 = arith.index_cast %parallel_loop3A_34 : i32 to index
      %parallel_loop3A_47 = arith.constant 16 : index
      %parallel_loop3A_48 = tpu.vector_load %arg7[%parallel_loop3A_46, %parallel_loop3A_47] {strides = array<i32>} : memref<200x128xf32, #tpu.memory_space<vmem>>, vector<16xf32>,
      tpu.vector_store %arg7[%parallel_loop3A_46, %parallel_loop3A_47], %parallel_loop3A_45 {strides = array<i32>} : memref<200x128xf32, #tpu.memory_space<vmem>>, vector<16xf32>,
      %parallel_loop3A_49 = arith.index_cast %parallel_loop3A_34 : i32 to index
      %parallel_loop3A_50 = arith.constant 32 : index
      %parallel_loop3A_51 = tpu.vector_load %arg6[%parallel_loop3A_49, %parallel_loop3A_50] {strides = array<i32>} : memref<200x128xi32, #tpu.memory_space<vmem>>, vector<16xi32>,
      %parallel_loop3A_52 = tpu.vector_load_idx %arg5[%parallel_loop3A_51] : memref<10000xf32, #tpu.memory_space<vmem>>[vector<16xi32>], vector<16xf32>,
      %parallel_loop3A_53 = arith.index_cast %parallel_loop3A_34 : i32 to index
      %parallel_loop3A_54 = arith.constant 32 : index
      %parallel_loop3A_55 = tpu.vector_load %arg7[%parallel_loop3A_53, %parallel_loop3A_54] {strides = array<i32>} : memref<200x128xf32, #tpu.memory_space<vmem>>, vector<16xf32>,
      tpu.vector_store %arg7[%parallel_loop3A_53, %parallel_loop3A_54], %parallel_loop3A_52 {strides = array<i32>} : memref<200x128xf32, #tpu.memory_space<vmem>>, vector<16xf32>,
      %parallel_loop3A_56 = arith.index_cast %parallel_loop3A_34 : i32 to index
      %parallel_loop3A_57 = arith.constant 48 : index
      %parallel_loop3A_58 = tpu.vector_load %arg6[%parallel_loop3A_56, %parallel_loop3A_57] {strides = array<i32>} : memref<200x128xi32, #tpu.memory_space<vmem>>, vector<16xi32>,
      %parallel_loop3A_59 = tpu.vector_load_idx %arg5[%parallel_loop3A_58] : memref<10000xf32, #tpu.memory_space<vmem>>[vector<16xi32>], vector<16xf32>,
      %parallel_loop3A_60 = arith.index_cast %parallel_loop3A_34 : i32 to index
      %parallel_loop3A_61 = arith.constant 48 : index
      %parallel_loop3A_62 = tpu.vector_load %arg7[%parallel_loop3A_60, %parallel_loop3A_61] {strides = array<i32>} : memref<200x128xf32, #tpu.memory_space<vmem>>, vector<16xf32>,
      tpu.vector_store %arg7[%parallel_loop3A_60, %parallel_loop3A_61], %parallel_loop3A_59 {strides = array<i32>} : memref<200x128xf32, #tpu.memory_space<vmem>>, vector<16xf32>,
      %parallel_loop3A_63 = arith.index_cast %parallel_loop3A_34 : i32 to index
      %parallel_loop3A_64 = arith.constant 64 : index
      %parallel_loop3A_65 = tpu.vector_load %arg6[%parallel_loop3A_63, %parallel_loop3A_64] {strides = array<i32>} : memref<200x128xi32, #tpu.memory_space<vmem>>, vector<16xi32>,
      %parallel_loop3A_66 = tpu.vector_load_idx %arg5[%parallel_loop3A_65] : memref<10000xf32, #tpu.memory_space<vmem>>[vector<16xi32>], vector<16xf32>,
      %parallel_loop3A_67 = arith.index_cast %parallel_loop3A_34 : i32 to index
      %parallel_loop3A_68 = arith.constant 64 : index
      %parallel_loop3A_69 = tpu.vector_load %arg7[%parallel_loop3A_67, %parallel_loop3A_68] {strides = array<i32>} : memref<200x128xf32, #tpu.memory_space<vmem>>, vector<16xf32>,
      tpu.vector_store %arg7[%parallel_loop3A_67, %parallel_loop3A_68], %parallel_loop3A_66 {strides = array<i32>} : memref<200x128xf32, #tpu.memory_space<vmem>>, vector<16xf32>,
      %parallel_loop3A_70 = arith.index_cast %parallel_loop3A_34 : i32 to index
      %parallel_loop3A_71 = arith.constant 80 : index
      %parallel_loop3A_72 = tpu.vector_load %arg6[%parallel_loop3A_70, %parallel_loop3A_71] {strides = array<i32>} : memref<200x128xi32, #tpu.memory_space<vmem>>, vector<16xi32>,
      %parallel_loop3A_73 = tpu.vector_load_idx %arg5[%parallel_loop3A_72] : memref<10000xf32, #tpu.memory_space<vmem>>[vector<16xi32>], vector<16xf32>,
      %parallel_loop3A_74 = arith.index_cast %parallel_loop3A_34 : i32 to index
      %parallel_loop3A_75 = arith.constant 80 : index
      %parallel_loop3A_76 = tpu.vector_load %arg7[%parallel_loop3A_74, %parallel_loop3A_75] {strides = array<i32>} : memref<200x128xf32, #tpu.memory_space<vmem>>, vector<16xf32>,
      tpu.vector_store %arg7[%parallel_loop3A_74, %parallel_loop3A_75], %parallel_loop3A_73 {strides = array<i32>} : memref<200x128xf32, #tpu.memory_space<vmem>>, vector<16xf32>,
      %parallel_loop3A_77 = arith.index_cast %parallel_loop3A_34 : i32 to index
      %parallel_loop3A_78 = arith.constant 96 : index
      %parallel_loop3A_79 = tpu.vector_load %arg6[%parallel_loop3A_77, %parallel_loop3A_78] {strides = array<i32>} : memref<200x128xi32, #tpu.memory_space<vmem>>, vector<16xi32>,
      %parallel_loop3A_80 = tpu.vector_load_idx %arg5[%parallel_loop3A_79] : memref<10000xf32, #tpu.memory_space<vmem>>[vector<16xi32>], vector<16xf32>,
      %parallel_loop3A_81 = arith.index_cast %parallel_loop3A_34 : i32 to index
      %parallel_loop3A_82 = arith.constant 96 : index
      %parallel_loop3A_83 = tpu.vector_load %arg7[%parallel_loop3A_81, %parallel_loop3A_82] {strides = array<i32>} : memref<200x128xf32, #tpu.memory_space<vmem>>, vector<16xf32>,
      tpu.vector_store %arg7[%parallel_loop3A_81, %parallel_loop3A_82], %parallel_loop3A_80 {strides = array<i32>} : memref<200x128xf32, #tpu.memory_space<vmem>>, vector<16xf32>,
      %parallel_loop3A_84 = arith.index_cast %parallel_loop3A_34 : i32 to index
      %parallel_loop3A_85 = arith.constant 112 : index
      %parallel_loop3A_86 = tpu.vector_load %arg6[%parallel_loop3A_84, %parallel_loop3A_85] {strides = array<i32>} : memref<200x128xi32, #tpu.memory_space<vmem>>, vector<16xi32>,
      %parallel_loop3A_87 = tpu.vector_load_idx %arg5[%parallel_loop3A_86] : memref<10000xf32, #tpu.memory_space<vmem>>[vector<16xi32>], vector<16xf32>,
      %parallel_loop3A_88 = arith.index_cast %parallel_loop3A_34 : i32 to index
      %parallel_loop3A_89 = arith.constant 112 : index
      %parallel_loop3A_90 = tpu.vector_load %arg7[%parallel_loop3A_88, %parallel_loop3A_89] {strides = array<i32>} : memref<200x128xf32, #tpu.memory_space<vmem>>, vector<16xf32>,
      tpu.vector_store %arg7[%parallel_loop3A_88, %parallel_loop3A_89], %parallel_loop3A_87 {strides = array<i32>} : memref<200x128xf32, #tpu.memory_space<vmem>>, vector<16xf32>,
    } {sc.loop_unroll_factor = 2 : i64, sc.parallel_access}
    %dma_wait3A_24 = arith.constant 0 : i32
    %dma_wait3A_25 = arith.constant 0 : i32
    %dma_wait3A_26 = tpu.memref_slice %arg7[%dma_wait3A_24, %dma_wait3A_25] : memref<200x128xf32, #tpu.memory_space<vmem>> -> memref<96x128xf32, #tpu.memory_space<vmem>>
    %dma_wait3A_27 = arith.constant 0 : i32
    %dma_wait3A_28 = tpu.memref_slice %arg4[%dma_wait3A_27, %mul3A_2] : memref<200x4096xf32, #tpu.memory_space<hbm>> -> memref<96x128xf32, #tpu.memory_space<hbm>>
    %dma_wait3A_29 = arith.constant 0 : i32
    %dma_wait3A_30 = tpu.memref_slice %arg4[%dma_wait3A_29, %mul3A_2] : memref<200x4096xf32, #tpu.memory_space<hbm>> -> memref<96x128xf32, #tpu.memory_space<hbm>>
    %dma_wait3A_31 = arith.constant 0 : i32
    %dma_wait3A_32 = arith.constant 0 : i32
    %dma_wait3A_33 = tpu.memref_slice %arg7[%dma_wait3A_31, %dma_wait3A_32] : memref<200x128xf32, #tpu.memory_space<vmem>> -> memref<96x128xf32, #tpu.memory_space<vmem>>
    tpu.wait_dma2 semaphore(%arg10 : memref<!tpu.dma_semaphore, #tpu.memory_space<semaphore_mem>>) src(%dma_wait3A_33 : memref<96x128xf32, #tpu.memory_space<vmem>>) dst(%dma_wait3A_30 : memref<96x128xf32, #tpu.memory_space<hbm>>)
    "tpu.region"() ({
      %run_scoped3A = tpu.sem_alloc : memref<!tpu.dma_semaphore, #tpu.memory_space<semaphore_mem>>
      %dma_start3A_34 = arith.constant 96 : i32
      %dma_start3A_35 = arith.constant 0 : i32
      %dma_start3A_36 = tpu.memref_slice %arg7[%dma_start3A_34, %dma_start3A_35] : memref<200x128xf32, #tpu.memory_space<vmem>> -> memref<104x128xf32, #tpu.memory_space<vmem>>
      %dma_start3A_37 = arith.constant 96 : i32
      %dma_start3A_38 = tpu.memref_slice %arg4[%dma_start3A_37, %mul3A_2] : memref<200x4096xf32, #tpu.memory_space<hbm>> -> memref<104x128xf32, #tpu.memory_space<hbm>>
      %dma_start3A_39 = arith.constant 96 : i32
      %dma_start3A_40 = tpu.memref_slice %arg4[%dma_start3A_39, %mul3A_2] : memref<200x4096xf32, #tpu.memory_space<hbm>> -> memref<104x128xf32, #tpu.memory_space<hbm>>
      %dma_start3A_41 = arith.constant 96 : i32
      %dma_start3A_42 = arith.constant 0 : i32
      %dma_start3A_43 = tpu.memref_slice %arg7[%dma_start3A_41, %dma_start3A_42] : memref<200x128xf32, #tpu.memory_space<vmem>> -> memref<104x128xf32, #tpu.memory_space<vmem>>
      tpu.enqueue_dma source(%dma_start3A_43 : memref<104x128xf32, #tpu.memory_space<vmem>>) target(%dma_start3A_40 : memref<104x128xf32, #tpu.memory_space<hbm>>) target_semaphore(%run_scoped3A : memref<!tpu.dma_semaphore, #tpu.memory_space<semaphore_mem>>)
      %dma_wait3A_44 = arith.constant 96 : i32
      %dma_wait3A_45 = arith.constant 0 : i32
      %dma_wait3A_46 = tpu.memref_slice %arg7[%dma_wait3A_44, %dma_wait3A_45] : memref<200x128xf32, #tpu.memory_space<vmem>> -> memref<104x128xf32, #tpu.memory_space<vmem>>
      %dma_wait3A_47 = arith.constant 96 : i32
      %dma_wait3A_48 = tpu.memref_slice %arg4[%dma_wait3A_47, %mul3A_2] : memref<200x4096xf32, #tpu.memory_space<hbm>> -> memref<104x128xf32, #tpu.memory_space<hbm>>
      %dma_wait3A_49 = arith.constant 96 : i32
      %dma_wait3A_50 = tpu.memref_slice %arg4[%dma_wait3A_49, %mul3A_2] : memref<200x4096xf32, #tpu.memory_space<hbm>> -> memref<104x128xf32, #tpu.memory_space<hbm>>
      %dma_wait3A_51 = arith.constant 96 : i32
      %dma_wait3A_52 = arith.constant 0 : i32
      %dma_wait3A_53 = tpu.memref_slice %arg7[%dma_wait3A_51, %dma_wait3A_52] : memref<200x128xf32, #tpu.memory_space<vmem>> -> memref<104x128xf32, #tpu.memory_space<vmem>>
      tpu.wait_dma2 semaphore(%run_scoped3A : memref<!tpu.dma_semaphore, #tpu.memory_space<semaphore_mem>>) src(%dma_wait3A_53 : memref<104x128xf32, #tpu.memory_space<vmem>>) dst(%dma_wait3A_50 : memref<104x128xf32, #tpu.memory_space<hbm>>)
      tpu.yield
    }) : () -> ()
    return
  }
}

module attributes {stable_mosaic.version = 14 : i64} {
  func.func @_add_body(%arg0: i32, %arg1: memref<8x64x4096xf32, #tpu.memory_space<vmem>>, %arg2: memref<200x4096xf32, #tpu.memory_space<vmem>>, %arg3: memref<8x64x4096xf32, #tpu.memory_space<vmem>>) attributes {dimension_semantics = [#tpu.dimension_semantics<arbitrary>], iteration_bounds = array<i64: 25>, scalar_prefetch = 0 : i64, scratch_operands = 0 : i64, tpu.core_type = #tpu.core_type<tc>, window_params = [{transform_indices = @transform_0, window_bounds = array<i64: 8, 64, 4096>}, {pipeline_mode = #tpu.pipeline_mode<synchronous>, transform_indices = @transform_1, window_bounds = array<i64: 200, 4096>}, {transform_indices = @transform_2, window_bounds = array<i64: 8, 64, 4096>}]} {
    %mul3A = arith.constant 8 : i32
    %mul3A_0 = arith.muli %arg0, %mul3A : i32
    %multiple_of3A = tpu.assume_multiple %mul3A_0, 8 : i32
    %get3A = arith.index_cast %multiple_of3A : i32 to index
    %get3A_1 = arith.constant 0 : index
    %get3A_2 = vector.load %arg2[%get3A, %get3A_1] : memref<200x4096xf32, #tpu.memory_space<vmem>>, vector<8x4096xf32>
    %get3A_3 = arith.constant 0 : index
    %get3A_4 = arith.constant 0 : index
    %get3A_5 = arith.constant 0 : index
    %get3A_6 = vector.load %arg1[%get3A_3, %get3A_4, %get3A_5] : memref<8x64x4096xf32, #tpu.memory_space<vmem>>, vector<8x64x4096xf32>
    %broadcast_in_dim3A = vector.shape_cast %get3A_2 : vector<8x4096xf32> to vector<8x1x4096xf32>
    %add3A = vector.broadcast %broadcast_in_dim3A : vector<8x1x4096xf32> to vector<8x64x4096xf32>
    %add3A_7 = arith.addf %get3A_6, %add3A : vector<8x64x4096xf32>
    %swap3A = arith.constant 0 : index
    %swap3A_8 = arith.constant 0 : index
    %swap3A_9 = arith.constant 0 : index
    %swap3A_10 = vector.load %arg3[%swap3A, %swap3A_8, %swap3A_9] : memref<8x64x4096xf32, #tpu.memory_space<vmem>>, vector<8x64x4096xf32>
    tpu.vector_store %arg3[%swap3A, %swap3A_8, %swap3A_9], %add3A_7 {strides = array<i32>} : memref<8x64x4096xf32, #tpu.memory_space<vmem>>, vector<8x64x4096xf32>,
    return
  }
  func.func @transform_0(%arg0: i32) -> (i32, i32, i32) {
    %c0_i32 = arith.constant 0 : i32
    %c0_i32_0 = arith.constant 0 : i32
    %c0_i32_1 = arith.constant 0 : i32
    return %arg0, %c0_i32, %c0_i32_0 : i32, i32, i32
  }
  func.func @transform_1(%arg0: i32) -> (i32, i32) {
    %c0_i32 = arith.constant 0 : i32
    %c0_i32_0 = arith.constant 0 : i32
    %c0_i32_1 = arith.constant 0 : i32
    return %c0_i32, %c0_i32_0 : i32, i32
  }
  func.func @transform_2(%arg0: i32) -> (i32, i32, i32) {
    %c0_i32 = arith.constant 0 : i32
    %c0_i32_0 = arith.constant 0 : i32
    %c0_i32_1 = arith.constant 0 : i32
    return %arg0, %c0_i32, %c0_i32_0 : i32, i32, i32
  }
}

</mosaic_0001>

<sc_bundles>
// kernel: kernel.4.cloned.1.call-start
scs
__scs_entry_jumppad:
0x0: {  	(pc) =	sbr.rel $0x88, $3  }
0x1: {  	(tag) =	ssettag $0x0;
	lr =	simm.s32 $0x1  }
0x2: {  	[smem:$0x3F9E] =	sst lr;
	_ =	strace $0xD0000000  }
0x3: {  	_ = 	snop  }
0x4: {  	_ = 	snop  }
0x5: {  	_ = 	snop  }
0x6: {  	_ = 	snop  }
0x7: {  	_ = 	snop  }
__scs_overlays_trampoline_lowered:
0x8: {  	[smem:$0x3FAD] =	sst s0  }
0x9: {  	[smem:$0x3FAE] =	sst s1  }
0xa: {  	[smem:$0x3FAF] =	sst s2  }
0xb: {  	[smem:$0x3FB0] =	sst s3  }
0xc: {  	[smem:$0x3FB1] =	sst s4  }
0xd: {  	[smem:$0x3FB2] =	sst s5  }
0xe: {  	[smem:$0x3FB3] =	sst s6  }
0xf: {  	[smem:$0x3FB4] =	sst s7  }
0x10: {  	[smem:$0x3FB5] =	sst s8  }
0x11: {  	[smem:$0x3FB6] =	sst s9;
	s0 =	simm.s32 @!p0 $0x0  }
0x12: {  	s1 =	sld [smem:$0x3F9C];
	s0 =	simm.s32 @p0 $0x1  }
0x13: {  	[smem:$0x3FB7] =	sst s0;
	s0 =	simm.s32 @!p1 $0x0  }
0x14: {  	s2 =	sld [smem:$0x3F9B];
	s0 =	simm.s32 @p1 $0x1  }
0x15: {  	[smem:$0x3FB8] =	sst s0;
	s0 =	simm.s32 @!p2 $0x0  }
0x16: {  	s3 =	sld [smem:$0x3FDB];
	s0 =	simm.s32 @p2 $0x1  }
0x17: {  	s4 =	simm.s32 $0x1BF5;
	[smem:$0x3FBA] =	sst s0  }
0x18: {  	s0 =	sld [smem:$0x3F9D];
	_ =	swait.ge [sflag:s4], $0x0  }
0x19: {  	s7 =	sld [smem:$0x3F9E]  }
0x1a: {  	s8 =	sadd.s32 $0xFFFFE003, lr  }
0x1b: {  	s9 =	sadd.s32 $0xFFFFFEF7, lr;
	s5 =	simm.s32 $0xFFFFFFFF;
	p2 =	slt.u32 s8, $0xFFFFF086  }
0x1c: {  	p1 =	slt.u32 s9, $0xF7A;
	s5 =	simm.s32 @!p2 $0x0  }
0x1d: {  	s5 =	simm.s32 @p1 $0x1;
	p0 =	seq.s32 s7, s2  }
0x1e: {  	s7 =	smul.u32 @!p0 $0xF7A, s2;
	p2 =	seq.s32 @!p0 s5, $0x0  }
0x1f: {  	s9 =	smul.u32 $0xF7A, s1;
	s8 =	simm.s32 @!p0 $0x1BF5;
	p2 =	por !p2, p0  }
0x20: {  	[sflag:s8] =	ssyncset.s32 @!p0 $0xFFFFF086;
	s6 =	sadd.s32 @!p0 s3, s7;
	s7 =	simm.s32 @!p0 $0x108  }
0x21: {  	s3 =	sadd.s32 s3, s9;
	s6 =	sadd.s32 @!p0 $0x88, s6;
	s7 =	simm.s32 @p2 $0x1082  }
0x22: {  	[simem:s7], [sflag:s8] =	dma.local @!p0 [hbm:s6], $0xF7A  }
0x23: {  	s9 =	sor.u32 $0xD0000000, s2;
	s6 =	simm.s32 $0x108;
	_ =	swait.ge @!p0 [sflag:s8], $0x0  }
0x24: {  	s3 =	sadd.s32 $0x88, s3;
	s6 =	simm.s32 @!p1 $0x1082;
	[sflag:s4] =	ssyncset.s32 $0xFFFFF086  }
0x25: {  	[simem:s6], [sflag:s4] =	dma.local [hbm:s3], $0xF7A  }
0x26: {  	[smem:$0x3F9E] =	sst s1;
	(tag) =	ssettag s2;
	_ =	strace s9  }
0x27: {  	s1 =	sld [smem:$0x3FAE]  }
0x28: {  	s2 =	sld [smem:$0x3FAF]  }
0x29: {  	s4 =	sld [smem:$0x3FB1]  }
0x2a: {  	p0 =	seq.s32 s5, $0x0;
	s5 =	sld [smem:$0x3FB2]  }
0x2b: {  	s6 =	sld [smem:$0x3FB3]  }
0x2c: {  	s7 =	sld [smem:$0x3FB4]  }
0x2d: {  	s3 =	simm.s32 $0x108;
	s8 =	sld [smem:$0x3FB5]  }
0x2e: {  	s3 =	simm.s32 @!p0 $0x1082;
	s9 =	sld [smem:$0x3FB6]  }
0x2f: {  	lr =	sadd.s32 s0, s3;
	s0 =	sld [smem:$0x3FAD]  }
0x30: {  	s3 =	sld [smem:$0x3FB0]  }
0x31: {  	[smem:$0x3FB9] =	sst s10  }
0x32: {  	s10 =	sld [smem:$0x3FB7];
	_ =	sdelay $0x3  }
0x33: {  	p0 =	seq.s32 s10, $0x1;
	s10 =	sld [smem:$0x3FB9];
	_ =	sdelay $0x3  }
0x34: {  	[smem:$0x3FB9] =	sst s10  }
0x35: {  	s10 =	sld [smem:$0x3FB8];
	_ =	sdelay $0x3  }
0x36: {  	p1 =	seq.s32 s10, $0x1;
	s10 =	sld [smem:$0x3FB9];
	_ =	sdelay $0x3  }
0x37: {  	[smem:$0x3FB9] =	sst s10  }
0x38: {  	s10 =	sld [smem:$0x3FBA]  }
0x39: {  	_ = 	snop;
	(pc) =	sbr.ind lr, $3  }
0x3a: {  	_ = 	snop  }
0x3b: {  	_ = 	snop  }
0x3c: {  	p2 =	seq.s32 s10, $0x1;
	s10 =	sld [smem:$0x3FB9]  }
0x3d: {  	_ =	shalt  }
0x3e: {  	_ =	shalt  }
0x3f: {  	_ =	shalt  }
0x40: {  	_ =	shalt  }
0x41: {  	_ =	shalt  }
0x42: {  	_ =	shalt  }
0x43: {  	_ =	shalt  }
0x44: {  	_ =	shalt  }
0x45: {  	_ =	shalt  }
0x46: {  	_ =	shalt  }
0x47: {  	_ =	shalt  }
0x48: {  	_ =	shalt  }
0x49: {  	_ =	shalt  }
0x4a: {  	_ =	shalt  }
0x4b: {  	_ =	shalt  }
0x4c: {  	_ =	shalt  }
0x4d: {  	_ =	shalt  }
0x4e: {  	_ =	shalt  }
0x4f: {  	_ =	shalt  }
0x50: {  	_ =	shalt  }
0x51: {  	_ =	shalt  }
0x52: {  	_ =	shalt  }
0x53: {  	_ =	shalt  }
0x54: {  	_ =	shalt  }
0x55: {  	_ =	shalt  }
0x56: {  	_ =	shalt  }
0x57: {  	_ =	shalt  }
0x58: {  	_ =	shalt  }
0x59: {  	_ =	shalt  }
0x5a: {  	_ =	shalt  }
0x5b: {  	_ =	shalt  }
0x5c: {  	_ =	shalt  }
0x5d: {  	_ =	shalt  }
0x5e: {  	_ =	shalt  }
0x5f: {  	_ =	shalt  }
0x60: {  	_ =	shalt  }
0x61: {  	_ =	shalt  }
0x62: {  	_ =	shalt  }
0x63: {  	_ =	shalt  }
0x64: {  	_ =	shalt  }
0x65: {  	_ =	shalt  }
0x66: {  	_ =	shalt  }
0x67: {  	_ =	shalt  }
0x68: {  	_ =	shalt  }
0x69: {  	_ =	shalt  }
0x6a: {  	_ =	shalt  }
0x6b: {  	_ =	shalt  }
0x6c: {  	_ =	shalt  }
0x6d: {  	_ =	shalt  }
0x6e: {  	_ =	shalt  }
0x6f: {  	_ =	shalt  }
0x70: {  	_ =	shalt  }
0x71: {  	_ =	shalt  }
0x72: {  	_ =	shalt  }
0x73: {  	_ =	shalt  }
0x74: {  	_ =	shalt  }
0x75: {  	_ =	shalt  }
0x76: {  	_ =	shalt  }
0x77: {  	_ =	shalt  }
0x78: {  	_ =	shalt  }
0x79: {  	_ =	shalt  }
0x7a: {  	_ =	shalt  }
0x7b: {  	_ =	shalt  }
0x7c: {  	_ =	shalt  }
0x7d: {  	_ =	shalt  }
0x7e: {  	_ =	shalt  }
0x7f: {  	_ =	shalt  }
0x80: {  	_ =	shalt  }
0x81: {  	_ =	shalt  }
0x82: {  	_ =	shalt  }
0x83: {  	_ =	shalt  }
0x84: {  	_ =	shalt  }
0x85: {  	_ =	shalt  }
0x86: {  	_ =	shalt  }
0x87: {  	_ =	shalt  }
.Lfunc_end0:
.L_simem_size_0:
called_computation_lowered:
.L_overlay_start_0:
0x88: {  	s2 =	sld [smem:$0x3FD9]  }
0x89: {  	s3 =	sld [smem:$0x3FFE];
	_ =	sdelay $0x1  }
0x8a: {  	s1 =	srdreg.scid  }
0x8b: {  	s0 =	sand.u32 $0x1, s1  }
0x8c: {  	s17 =	sshll.u32 s0, $0xA;
	s2 =	sadd.s32 s3, s2  }
0x8d: {  	s2 =	sadd.s32 s2, s17  }
0x8e: {  	[smem:$0x3FC5] =	sst s2  }
0x8f: {  	_ = 	snop  }
0x90: {  	s2 =	sld [smem:$0x3FC8]  }
0x91: {  	s18 =	sld [smem:$0x3FD0];
	(tm) =	ssettm $0x1  }
0x92: {  	s4 =	sld [smem:$0x3FFB];
	_ =	sdelay $0x3  }
0x93: {  	_ =	strace s4  }
0x94: {  	s4 =	sld [smem:$0x3FFC];
	_ =	sdelay $0x3  }
0x95: {  	_ =	strace s4  }
0x96: {  	s4 =	sld [smem:$0x3FFD];
	_ =	sdelay $0x3  }
0x97: {  	_ =	strace s4  }
0x98: {  	_ =	strace $0x8FFFFFFF  }
0x99: {  	s19 =	sld [smem:$0x3FDB];
	_ =	sdelay $0x1  }
0x9a: {  	s5 =	simm.s32 $_scs_section_size  }
0x9b: {  	s6 =	simm.s32 $_size__tile_overlayer_lowered;
	s7 =	simm.s32 $_tile_overlayer_lowered  }
0x9c: {  	s22 =	simm.s32 $0x1BFF;
	s21 =	sshll.u32 s7, $0x1;
	s4 =	sadd.s32 s5, s19  }
0x9d: {  	s8 =	simm.s32 $0x0;
	s20 =	sshll.u32 s6, $0x1;
	s6 =	sadd.s32 s21, s4  }
0x9e: {  	[timem:s8], [sflag:s22] =	dma.local [hbm:s6], s20  }
0x9f: {  	_ =	swait.ge [sflag:s22], s20  }
0xa0: {  	s5 =	ssub.s32 $0x0, s20;
	[sflag:s22] =	ssyncset.done $0x0  }
0xa1: {  	[sflag:s22] =	ssyncadd.s32 s5;
	_ =	sdelay $0x1  }
0xa2: {  	s23 =	simm.s32 $0x1B8B  }
0xa3: {  	_ =	swait.ge [sflag:s23], $0x1  }
0xa4: {  	[sflag:s23] =	ssyncset.done $0x0  }
0xa5: {  	s25 =	simm.s32 $0x1B8E;
	s24 =	sld [smem:$0x3FFE];
	[sflag:s23] =	ssyncadd.s32 $0xFFFFFFFF  }
0xa6: {  	s26 =	simm.s32 $execute0_lowered;
	[smem:$0x3FD2] =	sst s25  }
0xa7: {  	s6 =	sshll.u32 s26, $0x1;
	_ =	strace $0x80000046;
	[dreg:$0x1] =	wrdreg $0xFFFFFFFF  }
0xa8: {  	s28 =	simm.s32 $_size_execute0_lowered;
	s4 =	sadd.s32 s4, s6;
	[dreg:$0x0] =	wrdreg $0x0  }
0xa9: {  	s6 =	sshll.u32 s28, $0x1;
	[dreg:$0x2] =	wrdreg s4  }
0xaa: {  	[dreg:$0x3] =	wrdreg s6  }
0xab: {  	[dreg:$0x4] =	wrdreg $0xC0  }
0xac: {  	_ =	task [dreg:s8], $0x5FFFF  }
0xad: {  	[dreg:$0x1] =	wrdreg $0xFFFFFFFF  }
0xae: {  	[dreg:$0x0] =	wrdreg $0x60  }
0xaf: {  	[dreg:$0x2] =	wrdreg s24  }
0xb0: {  	[dreg:$0x3] =	wrdreg s2  }
0xb1: {  	[dreg:$0x4] =	wrdreg s18  }
0xb2: {  	[dreg:$0x5] =	wrdreg $0x9  }
0xb3: {  	_ =	task.clear_ibuf [dreg:s8], $0x6FFFF;
	_ =	strace $0x90000046  }
0xb4: {  	s29 =	simm.s32 $0x9;
	_ =	strace $0x80000048  }
0xb5: {  	_ =	swait.ge [sflag:s29], $0x1  }
0xb6: {  	[sflag:s29] =	ssyncadd.s32 $0xFFFFFFFF  }
0xb7: {  	_ =	strace $0x90000048  }
0xb8: {  	_ =	sfence  }
0xb9: {  	s30 =	sld [smem:$0x0];
	_ =	sdelay $0x2  }
0xba: {  	s31 =	sshll.u32 s1, $0xD;
	s1 =	sshrl.u32 s1, $0x2  }
0xbb: {  	s3 =	sand.u32 $0x4000, s31;
	s1 =	sadd.s32 s1, s30  }
0xbc: {  	s0 =	sor.u32 s3, s0;
	s1 =	sshll.u32 s1, $0x11  }
0xbd: {  	s0 =	sor.u32 s1, s0  }
0xbe: {  	s0 =	sadd.s32 $0x8F2B, s0  }
0xbf: {  	[sflag:s0] =	ssyncadd.remote.s32 $0x1  }
0xc0: {  	_ =	sfence.sel $0xFFFF  }
0xc1: {  	[dreg:$0x0] =	wrdreg $0xFFFFFFFF;
	(pc) =	sbr.abs _section_cstart, $3  }
0xc2: {  	[dreg:$0x1] =	wrdreg $0xFFFFFFFF  }
0xc3: {  	_ =	task.clear_ibuf [dreg:s8], $0x2FFFF;
	_ =	strace $0x9FFFFFFF  }
0xc4: {  	(tm) =	ssettm $0x7FFFFFFF  }
0xc5: {  	_ =	shalt  }
tec
execute0_lowered:
.L_overlay_start_1:
0x0: {  	(tag) =	ssettag $0x1  }
0x1: {  	s3 =	rddreg [dreg:$0x0]  }
0x2: {  	s4 =	rddreg [dreg:$0x1]  }
0x3: {  	s5 =	rddreg [dreg:$0x2]  }
0x4: {  	s0 =	rddreg [dreg:$0x3]  }
0x5: {  	s2 =	simm.s32 $0x0;
	s6 =	srdreg.scid;
	s1 =	stileid.u32  }
0x6: {  	s10 =	simm.s32 $0x2780;
	s11 =	simm.s32 $0x1;
	s12 =	simm.s32 $0x2  }
0x7: {  	s13 =	simm.s32 $0x8B80;
	s14 =	simm.s32 $0x3;
	s15 =	simm.s32 $0xBB80  }
0x8: {  	s16 =	simm.s32 $0x4;
	s17 =	simm.s32 $0x0;
	[smem:$0x7FF] =	sst s2  }
0x9: {  	s6 =	sand.u32 $0x1, s6;
	s8 =	sshll.u32 s1, $0x8;
	s3 =	sadd.s32 $0x200, s3  }
0xa: {  	_ =	strace $0x80000047;
	s7 =	ssub.s32 $0x2, s6;
	s6 =	sshll.u32 s6, $0x7  }
0xb: {  	s9 =	sshrl.u32 s7, $0x1;
	s6 =	sor.u32 s6, s8;
	s8 =	simm.s32 $0x400  }
0xc: {  	s7 =	ssub.s32 s7, s9;
	s4 =	sadd.s32 s4, s6;
	s5 =	sadd.s32 s5, s6  }
0xd: {  	s9 =	simm.s32 $0x8000;
	s6 =	sadd.s32 $0xC000, s5;
	s7 =	smax.u32 s7, $0x1  }
.LBB2_1:
0xe: {  	[tilespmem:s2], [sflag:$0x1] =	stream.linear.gather [hbm4b:s3+s2], $0x2780, $0x38;
	[tilespmem:$0xEF80] =	vst v63  }
0xf: {  	_ = 	snop  }
0x10: {  	[tilespmem:s10], [sflag:$0x2] =	stream.strided.gather [hbm4b:s4+s8], $0x6400, s9, s8, $0x38;
	[tilespmem:$0xEF80] =	vst v63  }
0x11: {  	_ =	swait.ge [sflag:s11], $0x2780  }
0x12: {  	[sflag:s11] =	ssyncset.done $0x0  }
0x13: {  	[sflag:s11] =	ssyncadd.s32 $0xFFFFD880  }
0x14: {  	_ =	swait.ge [sflag:s12], $0x6400  }
0x15: {  	[sflag:s12] =	ssyncset.done $0x0  }
0x16: {  	s25 =	simm.s32 $0x2800;
	[sflag:s12] =	ssyncadd.s32 $0xFFFF9C00  }
0x17: {  	v0 =	vld [tilespmem:s25+$0x0];
	_ =	sdelay $0x1  }
0x18: {  	v1 =	vld [tilespmem:s25+$0xFFFFFF80];
	_ =	sdelay $0x5  }
0x19: {  	v0 =	vld.idx.msk [tilespmem:v0+s2+$0x0], $0xffff;
	_ =	sdelay $0x1  }
0x1a: {  	v1 =	vld.idx.msk [tilespmem:v1+s2+$0x0], $0xffff;
	_ =	sdelay $0x1  }
0x1b: {  	s18 =	simm.s32 $0x8C00  }
0x1c: {  	[tilespmem:s18+$0x0] =	vst v0  }
0x1d: {  	v0 =	vld [tilespmem:s25+$0x10]  }
0x1e: {  	[tilespmem:s18+$0xFFFFFF80] =	vst v1  }
0x1f: {  	v1 =	vld [tilespmem:s25+$0xFFFFFF90];
	_ =	sdelay $0x3  }
0x20: {  	s20 =	simm.s32 $0x2900  }
0x21: {  	v2 =	vld [tilespmem:s20+$0x0]  }
0x22: {  	v0 =	vld.idx.msk [tilespmem:v0+s2+$0x0], $0xffff;
	_ =	sdelay $0x1  }
0x23: {  	v1 =	vld.idx.msk [tilespmem:v1+s2+$0x0], $0xffff;
	_ =	sdelay $0x2  }
0x24: {  	[tilespmem:s18+$0x10] =	vst v0  }
0x25: {  	v0 =	vld [tilespmem:s25+$0x20]  }
0x26: {  	[tilespmem:s18+$0xFFFFFF90] =	vst v1;
	v1 =	vld.idx.msk [tilespmem:v2+s2+$0x0], $0xffff  }
0x27: {  	v3 =	vld [tilespmem:s20+$0xFFFFFF80];
	_ =	sdelay $0x1  }
0x28: {  	v2 =	vld [tilespmem:s25+$0xFFFFFFA0]  }
0x29: {  	s19 =	simm.s32 $0x8D00  }
0x2a: {  	[tilespmem:s19+$0x0] =	vst v1  }
0x2b: {  	v1 =	vld [tilespmem:s20+$0x10]  }
0x2c: {  	v0 =	vld.idx.msk [tilespmem:v0+s2+$0x0], $0xffff;
	_ =	sdelay $0x1  }
0x2d: {  	v3 =	vld.idx.msk [tilespmem:v3+s2+$0x0], $0xffff;
	_ =	sdelay $0x1  }
0x2e: {  	v2 =	vld.idx.msk [tilespmem:v2+s2+$0x0], $0xffff  }
0x2f: {  	[tilespmem:s18+$0x20] =	vst v0  }
0x30: {  	v0 =	vld [tilespmem:s25+$0x30]  }
0x31: {  	[tilespmem:s19+$0xFFFFFF80] =	vst v3;
	v1 =	vld.idx.msk [tilespmem:v1+s2+$0x0], $0xffff  }
0x32: {  	v3 =	vld [tilespmem:s20+$0xFFFFFF90]  }
0x33: {  	[tilespmem:s18+$0xFFFFFFA0] =	vst v2  }
0x34: {  	v2 =	vld [tilespmem:s25+$0xFFFFFFB0];
	_ =	sdelay $0x1  }
0x35: {  	[tilespmem:s19+$0x10] =	vst v1  }
0x36: {  	v1 =	vld [tilespmem:s20+$0x20]  }
0x37: {  	s21 =	simm.s32 $0x2A00;
	v0 =	vld.idx.msk [tilespmem:v0+s2+$0x0], $0xffff  }
0x38: {  	v4 =	vld [tilespmem:s21+$0x0]  }
0x39: {  	v3 =	vld.idx.msk [tilespmem:v3+s2+$0x0], $0xffff  }
0x3a: {  	v5 =	vld [tilespmem:s21+$0xFFFFFF80]  }
0x3b: {  	v2 =	vld.idx.msk [tilespmem:v2+s2+$0x0], $0xffff  }
0x3c: {  	[tilespmem:s18+$0x30] =	vst v0  }
0x3d: {  	v0 =	vld [tilespmem:s25+$0x40]  }
0x3e: {  	[tilespmem:s19+$0xFFFFFF90] =	vst v3;
	v1 =	vld.idx.msk [tilespmem:v1+s2+$0x0], $0xffff  }
0x3f: {  	v3 =	vld [tilespmem:s20+$0xFFFFFFA0]  }
0x40: {  	v4 =	vld.idx.msk [tilespmem:v4+s2+$0x0], $0xffff;
	[tilespmem:s18+$0xFFFFFFB0] =	vst v2  }
0x41: {  	v2 =	vld [tilespmem:s25+$0xFFFFFFC0]  }
0x42: {  	s23 =	simm.s32 $0x2B00;
	v5 =	vld.idx.msk [tilespmem:v5+s2+$0x0], $0xffff  }
0x43: {  	v6 =	vld [tilespmem:s23+$0x0];
	[tilespmem:s19+$0x20] =	vst v1  }
0x44: {  	s22 =	simm.s32 $0x8E00;
	v1 =	vld [tilespmem:s20+$0x30]  }
0x45: {  	[tilespmem:s22+$0x0] =	vst v4;
	v0 =	vld.idx.msk [tilespmem:v0+s2+$0x0], $0xffff  }
0x46: {  	v4 =	vld [tilespmem:s21+$0x10]  }
0x47: {  	[tilespmem:s22+$0xFFFFFF80] =	vst v5;
	v3 =	vld.idx.msk [tilespmem:v3+s2+$0x0], $0xffff  }
0x48: {  	v5 =	vld [tilespmem:s21+$0xFFFFFF90]  }
0x49: {  	v2 =	vld.idx.msk [tilespmem:v2+s2+$0x0], $0xffff  }
0x4a: {  	v7 =	vld [tilespmem:s23+$0xFFFFFF80];
	[tilespmem:s18+$0x40] =	vst v0  }
0x4b: {  	v0 =	vld [tilespmem:s25+$0x50]  }
0x4c: {  	[tilespmem:s19+$0xFFFFFFA0] =	vst v3;
	v1 =	vld.idx.msk [tilespmem:v1+s2+$0x0], $0xffff  }
0x4d: {  	v3 =	vld [tilespmem:s20+$0xFFFFFFB0]  }
0x4e: {  	v4 =	vld.idx.msk [tilespmem:v4+s2+$0x0], $0xffff;
	[tilespmem:s18+$0xFFFFFFC0] =	vst v2  }
0x4f: {  	v2 =	vld [tilespmem:s25+$0xFFFFFFD0]  }
0x50: {  	v5 =	vld.idx.msk [tilespmem:v5+s2+$0x0], $0xffff  }
0x51: {  	v6 =	vld.idx.msk [tilespmem:v6+s2+$0x0], $0xffff;
	[tilespmem:s19+$0x30] =	vst v1  }
0x52: {  	v1 =	vld [tilespmem:s20+$0x40]  }
0x53: {  	[tilespmem:s22+$0x10] =	vst v4;
	v0 =	vld.idx.msk [tilespmem:v0+s2+$0x0], $0xffff  }
0x54: {  	v4 =	vld [tilespmem:s21+$0x20]  }
0x55: {  	[tilespmem:s22+$0xFFFFFF90] =	vst v5;
	v3 =	vld.idx.msk [tilespmem:v3+s2+$0x0], $0xffff  }
0x56: {  	v5 =	vld [tilespmem:s21+$0xFFFFFFA0]  }
0x57: {  	v2 =	vld.idx.msk [tilespmem:v2+s2+$0x0], $0xffff  }
0x58: {  	v7 =	vld.idx.msk [tilespmem:v7+s2+$0x0], $0xffff;
	[tilespmem:s18+$0x50] =	vst v0  }
0x59: {  	v0 =	vld [tilespmem:s25+$0x60]  }
0x5a: {  	s24 =	simm.s32 $0x8F00;
	[tilespmem:s19+$0xFFFFFFB0] =	vst v3;
	v1 =	vld.idx.msk [tilespmem:v1+s2+$0x0], $0xffff  }
0x5b: {  	[tilespmem:s24+$0x0] =	vst v6;
	v3 =	vld [tilespmem:s20+$0xFFFFFFC0]  }
0x5c: {  	[tilespmem:s18+$0xFFFFFFD0] =	vst v2;
	v2 =	vld.idx.msk [tilespmem:v4+s2+$0x0], $0xffff  }
0x5d: {  	v6 =	vld [tilespmem:s23+$0x10]  }
0x5e: {  	v4 =	vld [tilespmem:s25+$0xFFFFFFE0]  }
0x5f: {  	v5 =	vld.idx.msk [tilespmem:v5+s2+$0x0], $0xffff;
	[tilespmem:s19+$0x40] =	vst v1  }
0x60: {  	v1 =	vld [tilespmem:s20+$0x50]  }
0x61: {  	[tilespmem:s22+$0x20] =	vst v2;
	v0 =	vld.idx.msk [tilespmem:v0+s2+$0x0], $0xffff  }
0x62: {  	v2 =	vld [tilespmem:s21+$0x30]  }
0x63: {  	[tilespmem:s24+$0xFFFFFF80] =	vst v7;
	v3 =	vld.idx.msk [tilespmem:v3+s2+$0x0], $0xffff  }
0x64: {  	v8 =	vld [tilespmem:s23+$0xFFFFFF90];
	[tilespmem:s22+$0xFFFFFFA0] =	vst v5  }
0x65: {  	v9 =	vld [tilespmem:s21+$0xFFFFFFB0]  }
0x66: {  	v4 =	vld.idx.msk [tilespmem:v4+s2+$0x0], $0xffff;
	[tilespmem:s18+$0x60] =	vst v0  }
0x67: {  	v0 =	vld [tilespmem:s25+$0x70]  }
0x68: {  	[tilespmem:s19+$0xFFFFFFC0] =	vst v3;
	v1 =	vld.idx.msk [tilespmem:v1+s2+$0x0], $0xffff  }
0x69: {  	v10 =	vld [tilespmem:s20+$0xFFFFFFD0]  }
0x6a: {  	v2 =	vld.idx.msk [tilespmem:v2+s2+$0x0], $0xffff  }
0x6b: {  	[tilespmem:s18+$0xFFFFFFE0] =	vst v4;
	v4 =	vld.idx.msk [tilespmem:v6+s2+$0x0], $0xffff;
	_ =	sdelay $0x1  }
0x6c: {  	v5 =	vld.idx.msk [tilespmem:v8+s2+$0x0], $0xffff;
	[tilespmem:s19+$0x50] =	vst v1  }
0x6d: {  	v1 =	vld [tilespmem:s20+$0x60]  }
0x6e: {  	[tilespmem:s22+$0x30] =	vst v2;
	v7 =	vld.idx.msk [tilespmem:v0+s2+$0x0], $0xffff  }
0x6f: {  	[tilespmem:s24+$0x10] =	vst v4;
	v4 =	vld.idx.msk [tilespmem:v9+s2+$0x0], $0xffff  }
0x70: {  	v3 =	vld [tilespmem:s21+$0x40]  }
0x71: {  	v2 =	vld.idx.msk [tilespmem:v10+s2+$0x0], $0xffff  }
0x72: {  	v6 =	vld [tilespmem:s23+$0x20]  }
0x73: {  	s26 =	simm.s32 $0x2C00;
	v0 =	vld [tilespmem:s25+$0xFFFFFFF0];
	s25 =	simm.s32 $0x6;
	[tilespmem:s18+$0x70] =	vst v7  }
.LBB2_2:
0x74: {  	v7 =	vld [tilespmem:s26+$0x0];
	s25 =	sadd.s32 $0x2, s25;
	s28 =	smov.u32 s22;
	s22 =	smov.u32 s24  }
0x75: {  	v8 =	vld [tilespmem:s26+$0xFFFFFF80];
	p0 =	slt.u32 s25, $0x5E;
	[tilespmem:s24+$0xFFFFFF90] =	vst v5  }
0x76: {  	v1 =	vld.idx.msk [tilespmem:v1+s2+$0x0], $0xffff  }
0x77: {  	v5 =	vld [tilespmem:s23+$0xFFFFFFA0];
	[tilespmem:s28+$0xFFFFFFB0] =	vst v4  }
0x78: {  	v3 =	vld.idx.msk [tilespmem:v3+s2+$0x0], $0xffff  }
0x79: {  	v4 =	vld [tilespmem:s21+$0xFFFFFFC0];
	[tilespmem:s19+$0xFFFFFFD0] =	vst v2  }
0x7a: {  	v2 =	vld.idx.msk [tilespmem:v6+s2+$0x0], $0xffff  }
0x7b: {  	v6 =	vld [tilespmem:s20+$0xFFFFFFE0]  }
0x7c: {  	v7 =	vld.idx.msk [tilespmem:v7+s2+$0x0], $0xffff;
	[tilespmem:s19+$0x60] =	vst v1  }
0x7d: {  	v1 =	vld [tilespmem:s20+$0x70]  }
0x7e: {  	v8 =	vld.idx.msk [tilespmem:v8+s2+$0x0], $0xffff;
	[tilespmem:s28+$0x40] =	vst v3  }
0x7f: {  	v3 =	vld [tilespmem:s21+$0x50]  }
0x80: {  	v5 =	vld.idx.msk [tilespmem:v5+s2+$0x0], $0xffff;
	[tilespmem:s24+$0x20] =	vst v2  }
0x81: {  	s24 =	sadd.s32 $0x100, s24;
	v2 =	vld [tilespmem:s23+$0x30]  }
0x82: {  	[tilespmem:s24+$0x0] =	vst v7;
	v4 =	vld.idx.msk [tilespmem:v4+s2+$0x0], $0xffff  }
0x83: {  	v7 =	vld [tilespmem:s26+$0x10]  }
0x84: {  	[tilespmem:s24+$0xFFFFFF80] =	vst v8;
	v6 =	vld.idx.msk [tilespmem:v6+s2+$0x0], $0xffff  }
0x85: {  	v1 =	vld.idx.msk [tilespmem:v1+s2+$0x0], $0xffff  }
0x86: {  	v8 =	vld [tilespmem:s26+$0xFFFFFF90];
	[tilespmem:s22+$0xFFFFFFA0] =	vst v5  }
0x87: {  	v3 =	vld.idx.msk [tilespmem:v3+s2+$0x0], $0xffff  }
0x88: {  	v9 =	vld [tilespmem:s23+$0xFFFFFFB0];
	[tilespmem:s28+$0xFFFFFFC0] =	vst v4  }
0x89: {  	v2 =	vld.idx.msk [tilespmem:v2+s2+$0x0], $0xffff  }
0x8a: {  	v10 =	vld [tilespmem:s21+$0xFFFFFFD0];
	[tilespmem:s19+$0xFFFFFFE0] =	vst v6  }
0x8b: {  	v4 =	vld.idx.msk [tilespmem:v7+s2+$0x0], $0xffff;
	[tilespmem:s19+$0x70] =	vst v1  }
0x8c: {  	v6 =	vld [tilespmem:s20+$0xFFFFFFF0];
	s20 =	smov.u32 s21;
	s21 =	smov.u32 s23;
	s23 =	smov.u32 s26  }
0x8d: {  	[tilespmem:s28+$0x50] =	vst v3;
	v7 =	vld.idx.msk [tilespmem:v0+s2+$0x0], $0xffff  }
0x8e: {  	v1 =	vld [tilespmem:s20+$0x60]  }
.Ltmp0:
0x8f: {  	v5 =	vld.idx.msk [tilespmem:v8+s2+$0x0], $0xffff;
	[tilespmem:s22+$0x30] =	vst v2;
	(pc) =	sbr.rel @p0 .LBB2_2-.Ltmp0, $4  }
0x90: {  	v3 =	vld [tilespmem:s21+$0x40]  }
0x91: {  	[tilespmem:s24+$0x10] =	vst v4;
	v4 =	vld.idx.msk [tilespmem:v9+s2+$0x0], $0xffff;
	v0 =	vmov v6  }
0x92: {  	v6 =	vld [tilespmem:s26+$0x20]  }
0x93: {  	s26 =	sadd.s32 $0x100, s26;
	v2 =	vld.idx.msk [tilespmem:v10+s2+$0x0], $0xffff;
	[tilespmem:s18+$0xFFFFFFF0] =	vst v7;
	s18 =	smov.u32 s19;
	s19 =	smov.u32 s28  }
0x94: {  	[tilespmem:s24+$0xFFFFFF90] =	vst v5  }
0x95: {  	v5 =	vld [tilespmem:s23+$0xFFFFFFA0];
	_ =	sdelay $0x6  }
0x96: {  	v6 =	vld.idx.msk [tilespmem:v6+s2+$0x0], $0xffff  }
0x97: {  	v5 =	vld.idx.msk [tilespmem:v5+s2+$0x0], $0xffff;
	_ =	sdelay $0x3  }
0x98: {  	[tilespmem:s24+$0x20] =	vst v6  }
0x99: {  	v6 =	vld [tilespmem:s23+$0x30];
	[tilespmem:s24+$0xFFFFFFA0] =	vst v5  }
0x9a: {  	v5 =	vld [tilespmem:s23+$0xFFFFFFB0];
	_ =	sdelay $0x6  }
0x9b: {  	v6 =	vld.idx.msk [tilespmem:v6+s2+$0x0], $0xffff  }
0x9c: {  	v5 =	vld.idx.msk [tilespmem:v5+s2+$0x0], $0xffff;
	_ =	sdelay $0x2  }
0x9d: {  	[tilespmem:s22+$0xFFFFFFB0] =	vst v4  }
0x9e: {  	[tilespmem:s24+$0x30] =	vst v6;
	v6 =	vld [tilespmem:s21+$0xFFFFFFC0]  }
0x9f: {  	v4 =	vld [tilespmem:s23+$0x40];
	[tilespmem:s24+$0xFFFFFFB0] =	vst v5  }
0xa0: {  	v5 =	vld [tilespmem:s23+$0xFFFFFFC0];
	_ =	sdelay $0x4  }
0xa1: {  	v3 =	vld.idx.msk [tilespmem:v3+s2+$0x0], $0xffff  }
0xa2: {  	v6 =	vld.idx.msk [tilespmem:v6+s2+$0x0], $0xffff  }
0xa3: {  	v4 =	vld.idx.msk [tilespmem:v4+s2+$0x0], $0xffff  }
0xa4: {  	v5 =	vld.idx.msk [tilespmem:v5+s2+$0x0], $0xffff;
	_ =	sdelay $0x1  }
0xa5: {  	[tilespmem:s22+$0x40] =	vst v3  }
0xa6: {  	v3 =	vld [tilespmem:s21+$0x50];
	[tilespmem:s22+$0xFFFFFFC0] =	vst v6  }
0xa7: {  	[tilespmem:s24+$0x40] =	vst v4;
	v6 =	vld [tilespmem:s21+$0xFFFFFFD0]  }
0xa8: {  	v4 =	vld [tilespmem:s23+$0x50];
	[tilespmem:s24+$0xFFFFFFC0] =	vst v5  }
0xa9: {  	v5 =	vld [tilespmem:s23+$0xFFFFFFD0];
	_ =	sdelay $0x4  }
0xaa: {  	v3 =	vld.idx.msk [tilespmem:v3+s2+$0x0], $0xffff  }
0xab: {  	v6 =	vld.idx.msk [tilespmem:v6+s2+$0x0], $0xffff  }
0xac: {  	v4 =	vld.idx.msk [tilespmem:v4+s2+$0x0], $0xffff  }
0xad: {  	v5 =	vld.idx.msk [tilespmem:v5+s2+$0x0], $0xffff  }
0xae: {  	v1 =	vld.idx.msk [tilespmem:v1+s2+$0x0], $0xffff;
	[tilespmem:s19+$0xFFFFFFD0] =	vst v2  }
0xaf: {  	[tilespmem:s22+$0x50] =	vst v3;
	v3 =	vld [tilespmem:s20+$0xFFFFFFE0]  }
0xb0: {  	v2 =	vld [tilespmem:s21+$0x60];
	[tilespmem:s22+$0xFFFFFFD0] =	vst v6  }
0xb1: {  	[tilespmem:s24+$0x50] =	vst v4;
	v6 =	vld [tilespmem:s21+$0xFFFFFFE0]  }
0xb2: {  	v4 =	vld [tilespmem:s23+$0x60];
	[tilespmem:s24+$0xFFFFFFD0] =	vst v5  }
0xb3: {  	v5 =	vld [tilespmem:s23+$0xFFFFFFE0];
	_ =	sdelay $0x1  }
0xb4: {  	[tilespmem:s19+$0x60] =	vst v1  }
0xb5: {  	v1 =	vld [tilespmem:s20+$0x70]  }
0xb6: {  	v3 =	vld.idx.msk [tilespmem:v3+s2+$0x0], $0xffff  }
0xb7: {  	v2 =	vld.idx.msk [tilespmem:v2+s2+$0x0], $0xffff  }
0xb8: {  	v6 =	vld.idx.msk [tilespmem:v6+s2+$0x0], $0xffff  }
0xb9: {  	v4 =	vld.idx.msk [tilespmem:v4+s2+$0x0], $0xffff  }
0xba: {  	v5 =	vld.idx.msk [tilespmem:v5+s2+$0x0], $0xffff  }
0xbb: {  	[tilespmem:s19+$0xFFFFFFE0] =	vst v3  }
0xbc: {  	[tilespmem:s22+$0x60] =	vst v2;
	v3 =	vld [tilespmem:s20+$0xFFFFFFF0]  }
0xbd: {  	v2 =	vld [tilespmem:s21+$0x70];
	[tilespmem:s22+$0xFFFFFFE0] =	vst v6  }
0xbe: {  	[tilespmem:s24+$0x60] =	vst v4;
	v6 =	vld [tilespmem:s21+$0xFFFFFFF0]  }
0xbf: {  	v4 =	vld [tilespmem:s23+$0x70];
	[tilespmem:s24+$0xFFFFFFE0] =	vst v5  }
0xc0: {  	v5 =	vld [tilespmem:s23+$0xFFFFFFF0]  }
0xc1: {  	v1 =	vld.idx.msk [tilespmem:v1+s2+$0x0], $0xffff;
	_ =	sdelay $0x1  }
0xc2: {  	v0 =	vld.idx.msk [tilespmem:v0+s2+$0x0], $0xffff  }
0xc3: {  	v3 =	vld.idx.msk [tilespmem:v3+s2+$0x0], $0xffff  }
0xc4: {  	v2 =	vld.idx.msk [tilespmem:v2+s2+$0x0], $0xffff  }
0xc5: {  	[tilespmem:s19+$0x70] =	vst v1;
	v1 =	vld.idx.msk [tilespmem:v6+s2+$0x0], $0xffff  }
0xc6: {  	v4 =	vld.idx.msk [tilespmem:v4+s2+$0x0], $0xffff  }
0xc7: {  	[tilespmem:s18+$0xFFFFFFF0] =	vst v0;
	v0 =	vld.idx.msk [tilespmem:v5+s2+$0x0], $0xffff  }
0xc8: {  	[tilespmem:s19+$0xFFFFFFF0] =	vst v3  }
0xc9: {  	[tilespmem:s22+$0x70] =	vst v2  }
0xca: {  	[tilespmem:s22+$0xFFFFFFF0] =	vst v1  }
0xcb: {  	[tilespmem:s24+$0x70] =	vst v4  }
0xcc: {  	s25 =	simm.s32 $0x5870;
	[tilespmem:s24+$0xFFFFFFF0] =	vst v0  }
0xcd: {  	[hbm4b:s5+s8] =	stream.strided.scatter [tilespmem:s13], [sflag:$0x3], $0x3000, s9, s8, $0x38;
	[tilespmem:$0xEF80] =	vst v63  }
0xce: {  	v0 =	vld [tilespmem:s25+$0xFFFFFF90];
	_ =	sdelay $0x1  }
0xcf: {  	v1 =	vld [tilespmem:s25+$0xFFFFFF10];
	_ =	sdelay $0x5  }
0xd0: {  	v0 =	vld.idx.msk [tilespmem:v0+s2+$0x0], $0xffff;
	_ =	sdelay $0x1  }
0xd1: {  	v1 =	vld.idx.msk [tilespmem:v1+s2+$0x0], $0xffff;
	_ =	sdelay $0x1  }
0xd2: {  	s18 =	simm.s32 $0xBC70  }
0xd3: {  	[tilespmem:s18+$0xFFFFFF90] =	vst v0  }
0xd4: {  	v0 =	vld [tilespmem:s25+$0xFFFFFFA0]  }
0xd5: {  	[tilespmem:s18+$0xFFFFFF10] =	vst v1  }
0xd6: {  	v1 =	vld [tilespmem:s25+$0xFFFFFF20];
	_ =	sdelay $0x3  }
0xd7: {  	s20 =	simm.s32 $0x5970  }
0xd8: {  	v2 =	vld [tilespmem:s20+$0xFFFFFF90]  }
0xd9: {  	v0 =	vld.idx.msk [tilespmem:v0+s2+$0x0], $0xffff;
	_ =	sdelay $0x1  }
0xda: {  	v1 =	vld.idx.msk [tilespmem:v1+s2+$0x0], $0xffff;
	_ =	sdelay $0x2  }
0xdb: {  	[tilespmem:s18+$0xFFFFFFA0] =	vst v0  }
0xdc: {  	v0 =	vld [tilespmem:s25+$0xFFFFFFB0]  }
0xdd: {  	[tilespmem:s18+$0xFFFFFF20] =	vst v1;
	v1 =	vld.idx.msk [tilespmem:v2+s2+$0x0], $0xffff  }
0xde: {  	v3 =	vld [tilespmem:s20+$0xFFFFFF10];
	_ =	sdelay $0x1  }
0xdf: {  	v2 =	vld [tilespmem:s25+$0xFFFFFF30]  }
0xe0: {  	s19 =	simm.s32 $0xBD70  }
0xe1: {  	[tilespmem:s19+$0xFFFFFF90] =	vst v1  }
0xe2: {  	v1 =	vld [tilespmem:s20+$0xFFFFFFA0]  }
0xe3: {  	v0 =	vld.idx.msk [tilespmem:v0+s2+$0x0], $0xffff;
	_ =	sdelay $0x1  }
0xe4: {  	v3 =	vld.idx.msk [tilespmem:v3+s2+$0x0], $0xffff;
	_ =	sdelay $0x1  }
0xe5: {  	v2 =	vld.idx.msk [tilespmem:v2+s2+$0x0], $0xffff  }
0xe6: {  	[tilespmem:s18+$0xFFFFFFB0] =	vst v0  }
0xe7: {  	v0 =	vld [tilespmem:s25+$0xFFFFFFC0]  }
0xe8: {  	[tilespmem:s19+$0xFFFFFF10] =	vst v3;
	v1 =	vld.idx.msk [tilespmem:v1+s2+$0x0], $0xffff  }
0xe9: {  	v3 =	vld [tilespmem:s20+$0xFFFFFF20]  }
0xea: {  	[tilespmem:s18+$0xFFFFFF30] =	vst v2  }
0xeb: {  	v2 =	vld [tilespmem:s25+$0xFFFFFF40];
	_ =	sdelay $0x1  }
0xec: {  	[tilespmem:s19+$0xFFFFFFA0] =	vst v1  }
0xed: {  	v1 =	vld [tilespmem:s20+$0xFFFFFFB0]  }
0xee: {  	s21 =	simm.s32 $0x5A70;
	v0 =	vld.idx.msk [tilespmem:v0+s2+$0x0], $0xffff  }
0xef: {  	v4 =	vld [tilespmem:s21+$0xFFFFFF90]  }
0xf0: {  	v3 =	vld.idx.msk [tilespmem:v3+s2+$0x0], $0xffff  }
0xf1: {  	v5 =	vld [tilespmem:s21+$0xFFFFFF10]  }
0xf2: {  	v2 =	vld.idx.msk [tilespmem:v2+s2+$0x0], $0xffff  }
0xf3: {  	[tilespmem:s18+$0xFFFFFFC0] =	vst v0  }
0xf4: {  	v0 =	vld [tilespmem:s25+$0xFFFFFFD0]  }
0xf5: {  	[tilespmem:s19+$0xFFFFFF20] =	vst v3;
	v1 =	vld.idx.msk [tilespmem:v1+s2+$0x0], $0xffff  }
0xf6: {  	v3 =	vld [tilespmem:s20+$0xFFFFFF30]  }
0xf7: {  	v4 =	vld.idx.msk [tilespmem:v4+s2+$0x0], $0xffff;
	[tilespmem:s18+$0xFFFFFF40] =	vst v2  }
0xf8: {  	v2 =	vld [tilespmem:s25+$0xFFFFFF50]  }
0xf9: {  	s23 =	simm.s32 $0x5B70;
	v5 =	vld.idx.msk [tilespmem:v5+s2+$0x0], $0xffff  }
0xfa: {  	v6 =	vld [tilespmem:s23+$0xFFFFFF90];
	[tilespmem:s19+$0xFFFFFFB0] =	vst v1  }
0xfb: {  	s22 =	simm.s32 $0xBE70;
	v1 =	vld [tilespmem:s20+$0xFFFFFFC0]  }
0xfc: {  	[tilespmem:s22+$0xFFFFFF90] =	vst v4;
	v0 =	vld.idx.msk [tilespmem:v0+s2+$0x0], $0xffff  }
0xfd: {  	v4 =	vld [tilespmem:s21+$0xFFFFFFA0]  }
0xfe: {  	[tilespmem:s22+$0xFFFFFF10] =	vst v5;
	v3 =	vld.idx.msk [tilespmem:v3+s2+$0x0], $0xffff  }
0xff: {  	v5 =	vld [tilespmem:s21+$0xFFFFFF20]  }
0x100: {  	v2 =	vld.idx.msk [tilespmem:v2+s2+$0x0], $0xffff  }
0x101: {  	v7 =	vld [tilespmem:s23+$0xFFFFFF10];
	[tilespmem:s18+$0xFFFFFFD0] =	vst v0  }
0x102: {  	v0 =	vld [tilespmem:s25+$0xFFFFFFE0]  }
0x103: {  	[tilespmem:s19+$0xFFFFFF30] =	vst v3;
	v1 =	vld.idx.msk [tilespmem:v1+s2+$0x0], $0xffff  }
0x104: {  	v3 =	vld [tilespmem:s20+$0xFFFFFF40]  }
0x105: {  	v4 =	vld.idx.msk [tilespmem:v4+s2+$0x0], $0xffff;
	[tilespmem:s18+$0xFFFFFF50] =	vst v2  }
0x106: {  	v2 =	vld [tilespmem:s25+$0xFFFFFF60]  }
0x107: {  	v5 =	vld.idx.msk [tilespmem:v5+s2+$0x0], $0xffff  }
0x108: {  	v6 =	vld.idx.msk [tilespmem:v6+s2+$0x0], $0xffff;
	[tilespmem:s19+$0xFFFFFFC0] =	vst v1  }
0x109: {  	v1 =	vld [tilespmem:s20+$0xFFFFFFD0]  }
0x10a: {  	[tilespmem:s22+$0xFFFFFFA0] =	vst v4;
	v0 =	vld.idx.msk [tilespmem:v0+s2+$0x0], $0xffff  }
0x10b: {  	v4 =	vld [tilespmem:s21+$0xFFFFFFB0]  }
0x10c: {  	[tilespmem:s22+$0xFFFFFF20] =	vst v5;
	v3 =	vld.idx.msk [tilespmem:v3+s2+$0x0], $0xffff  }
0x10d: {  	v5 =	vld [tilespmem:s21+$0xFFFFFF30]  }
0x10e: {  	v2 =	vld.idx.msk [tilespmem:v2+s2+$0x0], $0xffff  }
0x10f: {  	v7 =	vld.idx.msk [tilespmem:v7+s2+$0x0], $0xffff;
	[tilespmem:s18+$0xFFFFFFE0] =	vst v0  }
0x110: {  	v0 =	vld [tilespmem:s25+$0xFFFFFFF0]  }
0x111: {  	s24 =	simm.s32 $0xBF70;
	[tilespmem:s19+$0xFFFFFF40] =	vst v3;
	v1 =	vld.idx.msk [tilespmem:v1+s2+$0x0], $0xffff  }
0x112: {  	[tilespmem:s24+$0xFFFFFF90] =	vst v6;
	v3 =	vld [tilespmem:s20+$0xFFFFFF50]  }
0x113: {  	[tilespmem:s18+$0xFFFFFF60] =	vst v2;
	v2 =	vld.idx.msk [tilespmem:v4+s2+$0x0], $0xffff  }
0x114: {  	v6 =	vld [tilespmem:s23+$0xFFFFFFA0]  }
0x115: {  	v4 =	vld [tilespmem:s25+$0xFFFFFF70]  }
0x116: {  	v5 =	vld.idx.msk [tilespmem:v5+s2+$0x0], $0xffff;
	[tilespmem:s19+$0xFFFFFFD0] =	vst v1  }
0x117: {  	v1 =	vld [tilespmem:s20+$0xFFFFFFE0]  }
0x118: {  	[tilespmem:s22+$0xFFFFFFB0] =	vst v2;
	v0 =	vld.idx.msk [tilespmem:v0+s2+$0x0], $0xffff  }
0x119: {  	v2 =	vld [tilespmem:s21+$0xFFFFFFC0]  }
0x11a: {  	[tilespmem:s24+$0xFFFFFF10] =	vst v7;
	v3 =	vld.idx.msk [tilespmem:v3+s2+$0x0], $0xffff  }
0x11b: {  	v8 =	vld [tilespmem:s23+$0xFFFFFF20];
	[tilespmem:s22+$0xFFFFFF30] =	vst v5  }
0x11c: {  	v9 =	vld [tilespmem:s21+$0xFFFFFF40]  }
0x11d: {  	v4 =	vld.idx.msk [tilespmem:v4+s2+$0x0], $0xffff;
	[tilespmem:s18+$0xFFFFFFF0] =	vst v0  }
0x11e: {  	v0 =	vld [tilespmem:s25+$0x0]  }
0x11f: {  	[tilespmem:s19+$0xFFFFFF50] =	vst v3;
	v1 =	vld.idx.msk [tilespmem:v1+s2+$0x0], $0xffff  }
0x120: {  	v10 =	vld [tilespmem:s20+$0xFFFFFF60]  }
0x121: {  	v2 =	vld.idx.msk [tilespmem:v2+s2+$0x0], $0xffff  }
0x122: {  	[tilespmem:s18+$0xFFFFFF70] =	vst v4;
	v4 =	vld.idx.msk [tilespmem:v6+s2+$0x0], $0xffff;
	_ =	sdelay $0x1  }
0x123: {  	v5 =	vld.idx.msk [tilespmem:v8+s2+$0x0], $0xffff;
	[tilespmem:s19+$0xFFFFFFE0] =	vst v1  }
0x124: {  	v1 =	vld [tilespmem:s20+$0xFFFFFFF0]  }
0x125: {  	[tilespmem:s22+$0xFFFFFFC0] =	vst v2;
	v7 =	vld.idx.msk [tilespmem:v0+s2+$0x0], $0xffff  }
0x126: {  	[tilespmem:s24+$0xFFFFFFA0] =	vst v4;
	v4 =	vld.idx.msk [tilespmem:v9+s2+$0x0], $0xffff  }
0x127: {  	v3 =	vld [tilespmem:s21+$0xFFFFFFD0]  }
0x128: {  	v2 =	vld.idx.msk [tilespmem:v10+s2+$0x0], $0xffff  }
0x129: {  	v6 =	vld [tilespmem:s23+$0xFFFFFFB0]  }
0x12a: {  	s26 =	simm.s32 $0x5C70;
	v0 =	vld [tilespmem:s25+$0xFFFFFF80];
	s25 =	simm.s32 $0x66;
	[tilespmem:s18+$0x0] =	vst v7  }
.LBB2_4:
0x12b: {  	v7 =	vld [tilespmem:s26+$0xFFFFFF90];
	s25 =	sadd.s32 $0x2, s25;
	s28 =	smov.u32 s22;
	s22 =	smov.u32 s24  }
0x12c: {  	v8 =	vld [tilespmem:s26+$0xFFFFFF10];
	p0 =	slt.u32 s25, $0xC6;
	[tilespmem:s24+$0xFFFFFF20] =	vst v5  }
0x12d: {  	v1 =	vld.idx.msk [tilespmem:v1+s2+$0x0], $0xffff  }
0x12e: {  	v5 =	vld [tilespmem:s23+$0xFFFFFF30];
	[tilespmem:s28+$0xFFFFFF40] =	vst v4  }
0x12f: {  	v3 =	vld.idx.msk [tilespmem:v3+s2+$0x0], $0xffff  }
0x130: {  	v4 =	vld [tilespmem:s21+$0xFFFFFF50];
	[tilespmem:s19+$0xFFFFFF60] =	vst v2  }
0x131: {  	v2 =	vld.idx.msk [tilespmem:v6+s2+$0x0], $0xffff  }
0x132: {  	v6 =	vld [tilespmem:s20+$0xFFFFFF70]  }
0x133: {  	v7 =	vld.idx.msk [tilespmem:v7+s2+$0x0], $0xffff;
	[tilespmem:s19+$0xFFFFFFF0] =	vst v1  }
0x134: {  	v1 =	vld [tilespmem:s20+$0x0]  }
0x135: {  	v8 =	vld.idx.msk [tilespmem:v8+s2+$0x0], $0xffff;
	[tilespmem:s28+$0xFFFFFFD0] =	vst v3  }
0x136: {  	v3 =	vld [tilespmem:s21+$0xFFFFFFE0]  }
0x137: {  	v5 =	vld.idx.msk [tilespmem:v5+s2+$0x0], $0xffff;
	[tilespmem:s24+$0xFFFFFFB0] =	vst v2  }
0x138: {  	s24 =	sadd.s32 $0x100, s24;
	v2 =	vld [tilespmem:s23+$0xFFFFFFC0]  }
0x139: {  	[tilespmem:s24+$0xFFFFFF90] =	vst v7;
	v4 =	vld.idx.msk [tilespmem:v4+s2+$0x0], $0xffff  }
0x13a: {  	v7 =	vld [tilespmem:s26+$0xFFFFFFA0]  }
0x13b: {  	[tilespmem:s24+$0xFFFFFF10] =	vst v8;
	v6 =	vld.idx.msk [tilespmem:v6+s2+$0x0], $0xffff  }
0x13c: {  	v1 =	vld.idx.msk [tilespmem:v1+s2+$0x0], $0xffff  }
0x13d: {  	v8 =	vld [tilespmem:s26+$0xFFFFFF20];
	[tilespmem:s22+$0xFFFFFF30] =	vst v5  }
0x13e: {  	v3 =	vld.idx.msk [tilespmem:v3+s2+$0x0], $0xffff  }
0x13f: {  	v9 =	vld [tilespmem:s23+$0xFFFFFF40];
	[tilespmem:s28+$0xFFFFFF50] =	vst v4  }
0x140: {  	v2 =	vld.idx.msk [tilespmem:v2+s2+$0x0], $0xffff  }
0x141: {  	v10 =	vld [tilespmem:s21+$0xFFFFFF60];
	[tilespmem:s19+$0xFFFFFF70] =	vst v6  }
0x142: {  	v4 =	vld.idx.msk [tilespmem:v7+s2+$0x0], $0xffff;
	[tilespmem:s19+$0x0] =	vst v1  }
0x143: {  	v6 =	vld [tilespmem:s20+$0xFFFFFF80];
	s20 =	smov.u32 s21;
	s21 =	smov.u32 s23;
	s23 =	smov.u32 s26  }
0x144: {  	[tilespmem:s28+$0xFFFFFFE0] =	vst v3;
	v7 =	vld.idx.msk [tilespmem:v0+s2+$0x0], $0xffff  }
0x145: {  	v1 =	vld [tilespmem:s20+$0xFFFFFFF0]  }
.Ltmp1:
0x146: {  	v5 =	vld.idx.msk [tilespmem:v8+s2+$0x0], $0xffff;
	[tilespmem:s22+$0xFFFFFFC0] =	vst v2;
	(pc) =	sbr.rel @p0 .LBB2_4-.Ltmp1, $4  }
0x147: {  	v3 =	vld [tilespmem:s21+$0xFFFFFFD0]  }
0x148: {  	[tilespmem:s24+$0xFFFFFFA0] =	vst v4;
	v4 =	vld.idx.msk [tilespmem:v9+s2+$0x0], $0xffff;
	v0 =	vmov v6  }
0x149: {  	v6 =	vld [tilespmem:s26+$0xFFFFFFB0]  }
0x14a: {  	s26 =	sadd.s32 $0x100, s26;
	v2 =	vld.idx.msk [tilespmem:v10+s2+$0x0], $0xffff;
	[tilespmem:s18+$0xFFFFFF80] =	vst v7;
	s18 =	smov.u32 s19;
	s19 =	smov.u32 s28  }
0x14b: {  	[tilespmem:s24+$0xFFFFFF20] =	vst v5  }
0x14c: {  	v5 =	vld [tilespmem:s23+$0xFFFFFF30];
	_ =	sdelay $0x6  }
0x14d: {  	v6 =	vld.idx.msk [tilespmem:v6+s2+$0x0], $0xffff  }
0x14e: {  	v5 =	vld.idx.msk [tilespmem:v5+s2+$0x0], $0xffff;
	_ =	sdelay $0x3  }
0x14f: {  	[tilespmem:s24+$0xFFFFFFB0] =	vst v6  }
0x150: {  	v6 =	vld [tilespmem:s23+$0xFFFFFFC0];
	[tilespmem:s24+$0xFFFFFF30] =	vst v5  }
0x151: {  	v5 =	vld [tilespmem:s23+$0xFFFFFF40];
	_ =	sdelay $0x6  }
0x152: {  	v6 =	vld.idx.msk [tilespmem:v6+s2+$0x0], $0xffff  }
0x153: {  	v5 =	vld.idx.msk [tilespmem:v5+s2+$0x0], $0xffff;
	_ =	sdelay $0x2  }
0x154: {  	[tilespmem:s22+$0xFFFFFF40] =	vst v4  }
0x155: {  	v59 =	vld [tilespmem:s21+$0xFFFFFF50];
	[tilespmem:s24+$0xFFFFFFC0] =	vst v6  }
0x156: {  	v58 =	vld [tilespmem:s23+$0xFFFFFFD0];
	[tilespmem:s24+$0xFFFFFF40] =	vst v5  }
0x157: {  	v5 =	vld [tilespmem:s23+$0xFFFFFF50];
	_ =	sdelay $0x4  }
0x158: {  	v3 =	vld.idx.msk [tilespmem:v3+s2+$0x0], $0xffff  }
0x159: {  	v6 =	vld.idx.msk [tilespmem:v59+s2+$0x0], $0xffff  }
0x15a: {  	v4 =	vld.idx.msk [tilespmem:v58+s2+$0x0], $0xffff  }
0x15b: {  	v5 =	vld.idx.msk [tilespmem:v5+s2+$0x0], $0xffff;
	_ =	sdelay $0x1  }
0x15c: {  	[tilespmem:s22+$0xFFFFFFD0] =	vst v3  }
0x15d: {  	v3 =	vld [tilespmem:s21+$0xFFFFFFE0];
	[tilespmem:s22+$0xFFFFFF50] =	vst v6  }
0x15e: {  	v6 =	vld [tilespmem:s21+$0xFFFFFF60];
	[tilespmem:s24+$0xFFFFFFD0] =	vst v4  }
0x15f: {  	v4 =	vld [tilespmem:s23+$0xFFFFFFE0];
	[tilespmem:s24+$0xFFFFFF50] =	vst v5  }
0x160: {  	v5 =	vld [tilespmem:s23+$0xFFFFFF60];
	_ =	sdelay $0x4  }
0x161: {  	v3 =	vld.idx.msk [tilespmem:v3+s2+$0x0], $0xffff  }
0x162: {  	v6 =	vld.idx.msk [tilespmem:v6+s2+$0x0], $0xffff  }
0x163: {  	v4 =	vld.idx.msk [tilespmem:v4+s2+$0x0], $0xffff  }
0x164: {  	v5 =	vld.idx.msk [tilespmem:v5+s2+$0x0], $0xffff  }
0x165: {  	[tilespmem:s19+$0xFFFFFF60] =	vst v2  }
0x166: {  	v61 =	vld [tilespmem:s20+$0xFFFFFF70];
	[tilespmem:s22+$0xFFFFFFE0] =	vst v3  }
0x167: {  	v60 =	vld [tilespmem:s21+$0xFFFFFFF0];
	[tilespmem:s22+$0xFFFFFF60] =	vst v6  }
0x168: {  	v6 =	vld [tilespmem:s21+$0xFFFFFF70];
	[tilespmem:s24+$0xFFFFFFE0] =	vst v4  }
0x169: {  	v4 =	vld [tilespmem:s23+$0xFFFFFFF0];
	[tilespmem:s24+$0xFFFFFF60] =	vst v5  }
0x16a: {  	v5 =	vld [tilespmem:s23+$0xFFFFFF70];
	_ =	sdelay $0x2  }
0x16b: {  	v1 =	vld.idx.msk [tilespmem:v1+s2+$0x0], $0xffff  }
0x16c: {  	v3 =	vld.idx.msk [tilespmem:v61+s2+$0x0], $0xffff  }
0x16d: {  	v2 =	vld.idx.msk [tilespmem:v60+s2+$0x0], $0xffff  }
0x16e: {  	v6 =	vld.idx.msk [tilespmem:v6+s2+$0x0], $0xffff  }
0x16f: {  	v4 =	vld.idx.msk [tilespmem:v4+s2+$0x0], $0xffff  }
0x170: {  	[tilespmem:s19+$0xFFFFFFF0] =	vst v1;
	v5 =	vld.idx.msk [tilespmem:v5+s2+$0x0], $0xffff  }
0x171: {  	v1 =	vld [tilespmem:s20+$0x0];
	[tilespmem:s19+$0xFFFFFF70] =	vst v3  }
0x172: {  	v3 =	vld [tilespmem:s20+$0xFFFFFF80];
	[tilespmem:s22+$0xFFFFFFF0] =	vst v2  }
0x173: {  	v2 =	vld [tilespmem:s21+$0x0];
	[tilespmem:s22+$0xFFFFFF70] =	vst v6  }
0x174: {  	v6 =	vld [tilespmem:s21+$0xFFFFFF80];
	[tilespmem:s24+$0xFFFFFFF0] =	vst v4  }
0x175: {  	v4 =	vld [tilespmem:s23+$0x0];
	[tilespmem:s24+$0xFFFFFF70] =	vst v5  }
0x176: {  	v5 =	vld [tilespmem:s23+$0xFFFFFF80];
	_ =	sdelay $0x1  }
0x177: {  	v0 =	vld.idx.msk [tilespmem:v0+s2+$0x0], $0xffff  }
0x178: {  	v1 =	vld.idx.msk [tilespmem:v1+s2+$0x0], $0xffff  }
0x179: {  	v3 =	vld.idx.msk [tilespmem:v3+s2+$0x0], $0xffff  }
0x17a: {  	v2 =	vld.idx.msk [tilespmem:v2+s2+$0x0], $0xffff  }
0x17b: {  	v62 =	vld.idx.msk [tilespmem:v6+s2+$0x0], $0xffff  }
0x17c: {  	[tilespmem:s18+$0xFFFFFF80] =	vst v0;
	v4 =	vld.idx.msk [tilespmem:v4+s2+$0x0], $0xffff  }
0x17d: {  	[tilespmem:s19+$0x0] =	vst v1;
	v63 =	vld.idx.msk [tilespmem:v5+s2+$0x0], $0xffff  }
0x17e: {  	[tilespmem:s19+$0xFFFFFF80] =	vst v3  }
0x17f: {  	[tilespmem:s22+$0x0] =	vst v2  }
0x180: {  	[tilespmem:s22+$0xFFFFFF80] =	vst v62  }
0x181: {  	[tilespmem:s24+$0x0] =	vst v4  }
0x182: {  	[tilespmem:s24+$0xFFFFFF80] =	vst v63  }
0x183: {  	s17 =	sadd.s32 $0x1, s17;
	_ =	swait.ge [sflag:s14], $0x3000  }
0x184: {  	p0 =	sne.s32 s17, s7;
	[sflag:s14] =	ssyncset.done $0x0  }
.Ltmp2:
0x185: {  	[sflag:s14] =	ssyncadd.s32 $0xFFFFD000;
	(pc) =	sbr.rel @p0 .LBB2_1-.Ltmp2, $4  }
0x186: {  	[hbm4b:s6+s8] =	stream.strided.scatter [tilespmem:s15], [sflag:$0x4], $0x3400, s9, s8, $0x38;
	[tilespmem:$0xEF80] =	vst v63  }
0x187: {  	_ =	swait.ge [sflag:s16], $0x3400  }
0x188: {  	[sflag:s16] =	ssyncset.done $0x0  }
0x189: {  	[sflag:s16] =	ssyncadd.s32 $0xFFFFCC00  }
0x18a: {  	_ =	sfence.sel $0x180000  }
0x18b: {  	[bflag:$0x0] =	sbarrier.arrive $0xFFFF  }
0x18c: {  	p0 =	sne.s32 s1, $0x0;
	_ =	strace $0x90000047  }
0x18d: {  	s0 =	sadd.s32 @!p0 $0x100000, s0;
	[bflag:$0x2] =	sbarrier.arrive $0xFFFF  }
0x18e: {  	[sflag:s0] =	ssyncadd.tile.s32 @!p0 $0x1;
	_ =	shalt  }
.Lfunc_end2:
_tile_overlayer_lowered:
.L_overlay_start_2:
0x18f: {  	(tag) =	ssettag $0x2  }
0x190: {  	s0 =	rddreg [dreg:$0x0];
	s2 =	stileid.u32  }
0x191: {  	s1 =	rddreg [dreg:$0x1];
	p0 =	sne.s32 s2, $0x0  }
0x192: {  	s3 =	rddreg [dreg:$0x2];
	[bflag:$0x3] =	sbarrier.arrive $0xFFFF;
	s2 =	simm.s32 @!p0 $0x1C04  }
0x193: {  	[timem:s3], [sflag:s2] =	dma.local @!p0 [hbm:s0], s1  }
0x194: {  	s0 =	simm.s32 @!p0 $0x4  }
0x195: {  	_ =	swait.ge @!p0 [sflag:s0], s1  }
0x196: {  	s1 =	ssub.s32 @!p0 $0x0, s1;
	[sflag:s0] =	ssyncset.done @!p0 $0x0  }
0x197: {  	[sflag:s0] =	ssyncadd.s32 @!p0 s1  }
0x198: {  	[bflag:$0x3] =	sbarrier.arrive $0xFFFF  }
0x199: {  	_ =	shalt  }

</sc_bundles>
